<compile_context>
chip_gen: v7x
topology: tpu7x:2x2x1
jax: 0.10.2.dev20260603
libtpu: 0.0.44.dev20260713+nightly
codegen_flags: <defaults>
</compile_context>

<pallas_src>
import jax
import jax.numpy as jnp
from jax import lax
from jax.experimental import pallas as pl
from jax.experimental.pallas import tpu as pltpu
from jax.experimental.pallas import tpu_sc as plsc

VOCAB = 100000
EMB_DIM = 128
BATCH = 4096
HIST = 50

NUM_CORES = 2
NUM_SUBCORES = 16
NUM_WORKERS = NUM_CORES * NUM_SUBCORES
BATCH_PER_WORKER = BATCH // NUM_WORKERS
SUPER = 2
NSUP = BATCH_PER_WORKER // SUPER
NBUF = 8
LOOK = NBUF - 1


def _emb_body(idx_hbm, table_hbm, out_hbm, idx_v, *bufs_and_sems):
    bufs = bufs_and_sems[:NBUF]
    gsems = bufs_and_sems[NBUF:2 * NBUF]
    ssems = bufs_and_sems[2 * NBUF:3 * NBUF]

    wid = lax.axis_index("s") * NUM_CORES + lax.axis_index("c")
    pltpu.sync_copy(idx_hbm.at[wid], idx_v)
    base = wid * BATCH_PER_WORKER

    def fire_gather(c, b):
        for k in range(SUPER):
            pltpu.async_copy(
                table_hbm.at[idx_v.at[c * SUPER + k]],
                bufs[b].at[k], gsems[b])

    def wait_gather(c, b):
        for k in range(SUPER):
            pltpu.make_async_copy(
                table_hbm.at[idx_v.at[0]], bufs[b].at[k], gsems[b]).wait()

    def fire_scatter(c, b):
        pltpu.async_copy(
            bufs[b], out_hbm.at[pl.ds(base + c * SUPER, SUPER)], ssems[b])

    def wait_scatter(b):
        pltpu.make_async_copy(
            bufs[b], out_hbm.at[pl.ds(base, SUPER)], ssems[b]).wait()

    for b in range(LOOK):
        fire_gather(b, b)

    wait_gather(0, 0)
    fire_scatter(0, 0)
    fire_gather(LOOK, LOOK % NBUF)

    def step(c, b, tb):
        wait_scatter(tb)
        fire_gather(c + LOOK, tb)
        wait_gather(c, b)
        fire_scatter(c, b)

    nsteady = NSUP - LOOK - 1
    ngroups = nsteady // NBUF
    nrem = nsteady % NBUF

    def outer(g, carry):
        for bp in range(NBUF):
            c = g * NBUF + 1 + bp
            step(c, (bp + 1) % NBUF, (1 + bp + LOOK) % NBUF)
        return carry

    if ngroups > 0:
        lax.fori_loop(0, ngroups, outer, 0)
    for r in range(nrem):
        c = ngroups * NBUF + 1 + r
        step(c, c % NBUF, (c + LOOK) % NBUF)

    for c in range(NSUP - LOOK, NSUP):
        b = c % NBUF
        wait_gather(c, b)
        fire_scatter(c, b)
    for b in range(NBUF):
        wait_scatter(b)


@jax.jit
def _emb_call(idx, weight):
    mesh = plsc.VectorSubcoreMesh(
        core_axis_name="c", subcore_axis_name="s",
        num_cores=NUM_CORES, num_subcores=NUM_SUBCORES,
    )
    run = pl.kernel(
        _emb_body,
        out_type=jax.ShapeDtypeStruct((BATCH, HIST, EMB_DIM), jnp.float32),
        mesh=mesh,
        scratch_types=(
            [pltpu.VMEM((BATCH_PER_WORKER, HIST), jnp.int32)]
            + [pltpu.VMEM((SUPER, HIST, EMB_DIM), jnp.float32) for _ in range(NBUF)]
            + [pltpu.SemaphoreType.DMA for _ in range(2 * NBUF)]
        ),
    )
    return run(idx, weight)


def kernel(input, weight):
    idx = input.astype(jnp.int32).reshape(NUM_WORKERS, BATCH_PER_WORKER, HIST)
    return _emb_call(idx, weight)

# --- scband reference (transcript-rebuilt; emitter-appended) ---
"""Pipeline reference for scband-embedding-14577119003359 (READ-ONLY COPY).

The authoritative reference and input builder live on the scoring server;
editing this copy changes nothing except your own understanding.
"""

import jax, jax.numpy as jnp
import numpy as np

VOCAB = 100000
EMB_DIM = 128
BATCH = 4096
HIST = 50

def setup_inputs(seed: int = 0) -> dict:
    key = jax.random.key(seed)
    k_idx, k_w = jax.random.split(key)
    input = jax.random.randint(k_idx, (BATCH, HIST), 0, VOCAB, dtype=jnp.int64)
    weight = jax.random.normal(k_w, (VOCAB, EMB_DIM), dtype=jnp.float32) * 0.02
    return {"input": input, "weight": weight}

def reference(input, weight):
    # nn.Embedding forward: gather rows of the embedding table
    return jnp.take(weight, input, axis=0)

if __name__ == "__main__":
    import jax
    _d = setup_inputs()
    print(jax.jit(kernel)(*tuple(_d.values())))

</pallas_src>

<mosaic_0001>
#map = affine_map<(d0, d1) -> (0, 0, 0)>
#map1 = affine_map<(d0, d1) -> (0, 0)>
module attributes {stable_mosaic.version = 14 : i64} {
  func.func @_emb_body(%arg0: i32, %arg1: i32, %arg2: memref<32x128x50xi32, #tpu.memory_space<hbm>>, %arg3: memref<100000x128xf32, #tpu.memory_space<hbm>>, %arg4: memref<4096x50x128xf32, #tpu.memory_space<hbm>>, %arg5: memref<128x50xi32, #tpu.memory_space<vmem>>, %arg6: memref<2x50x128xf32, #tpu.memory_space<vmem>>, %arg7: memref<2x50x128xf32, #tpu.memory_space<vmem>>, %arg8: memref<2x50x128xf32, #tpu.memory_space<vmem>>, %arg9: memref<2x50x128xf32, #tpu.memory_space<vmem>>, %arg10: memref<2x50x128xf32, #tpu.memory_space<vmem>>, %arg11: memref<2x50x128xf32, #tpu.memory_space<vmem>>, %arg12: memref<2x50x128xf32, #tpu.memory_space<vmem>>, %arg13: memref<2x50x128xf32, #tpu.memory_space<vmem>>, %arg14: memref<!tpu.dma_semaphore, #tpu.memory_space<semaphore_mem>>, %arg15: memref<!tpu.dma_semaphore, #tpu.memory_space<semaphore_mem>>, %arg16: memref<!tpu.dma_semaphore, #tpu.memory_space<semaphore_mem>>, %arg17: memref<!tpu.dma_semaphore, #tpu.memory_space<semaphore_mem>>, %arg18: memref<!tpu.dma_semaphore, #tpu.memory_space<semaphore_mem>>, %arg19: memref<!tpu.dma_semaphore, #tpu.memory_space<semaphore_mem>>, %arg20: memref<!tpu.dma_semaphore, #tpu.memory_space<semaphore_mem>>, %arg21: memref<!tpu.dma_semaphore, #tpu.memory_space<semaphore_mem>>, %arg22: memref<!tpu.dma_semaphore, #tpu.memory_space<semaphore_mem>>, %arg23: memref<!tpu.dma_semaphore, #tpu.memory_space<semaphore_mem>>, %arg24: memref<!tpu.dma_semaphore, #tpu.memory_space<semaphore_mem>>, %arg25: memref<!tpu.dma_semaphore, #tpu.memory_space<semaphore_mem>>, %arg26: memref<!tpu.dma_semaphore, #tpu.memory_space<semaphore_mem>>, %arg27: memref<!tpu.dma_semaphore, #tpu.memory_space<semaphore_mem>>, %arg28: memref<!tpu.dma_semaphore, #tpu.memory_space<semaphore_mem>>, %arg29: memref<!tpu.dma_semaphore, #tpu.memory_space<semaphore_mem>>) attributes {dimension_semantics = [#tpu.dimension_semantics<core_parallel>, #tpu.dimension_semantics<subcore_parallel>], iteration_bounds = array<i64: 2, 16>, scalar_prefetch = 0 : i64, scratch_operands = 25 : i64, tpu.core_type = #tpu.core_type<sc_vector_subcore>, window_params = [{transform_indices = #map}, {transform_indices = #map1}, {transform_indices = #map}]} {
    %mul3A = arith.constant 2 : i32
    %mul3A_0 = arith.muli %arg1, %mul3A : i32
    %add3A = arith.addi %mul3A_0, %arg0 : i32
    "tpu.region"() ({
      %run_scoped3A = tpu.sem_alloc : memref<!tpu.dma_semaphore, #tpu.memory_space<semaphore_mem>>
      %dma_start3A_502 = arith.constant 0 : i32
      %dma_start3A_503 = arith.constant 0 : i32
      %dma_start3A_504 = tpu.memref_slice %arg2[%add3A, %dma_start3A_502, %dma_start3A_503] : memref<32x128x50xi32, #tpu.memory_space<hbm>> -> memref<1x128x50xi32, #tpu.memory_space<hbm>>
      %dma_start3A_505 = tpu.memref_squeeze %dma_start3A_504 : memref<1x128x50xi32, #tpu.memory_space<hbm>> -> memref<128x50xi32, #tpu.memory_space<hbm>>
      %dma_start3A_506 = arith.constant 0 : i32
      %dma_start3A_507 = arith.constant 0 : i32
      %dma_start3A_508 = tpu.memref_slice %arg2[%add3A, %dma_start3A_506, %dma_start3A_507] : memref<32x128x50xi32, #tpu.memory_space<hbm>> -> memref<1x128x50xi32, #tpu.memory_space<hbm>>
      %dma_start3A_509 = tpu.memref_squeeze %dma_start3A_508 : memref<1x128x50xi32, #tpu.memory_space<hbm>> -> memref<128x50xi32, #tpu.memory_space<hbm>>
      tpu.enqueue_dma source(%dma_start3A_509 : memref<128x50xi32, #tpu.memory_space<hbm>>) target(%arg5 : memref<128x50xi32, #tpu.memory_space<vmem>>) target_semaphore(%run_scoped3A : memref<!tpu.dma_semaphore, #tpu.memory_space<semaphore_mem>>)
      %dma_wait3A_510 = arith.constant 0 : i32
      %dma_wait3A_511 = arith.constant 0 : i32
      %dma_wait3A_512 = tpu.memref_slice %arg2[%add3A, %dma_wait3A_510, %dma_wait3A_511] : memref<32x128x50xi32, #tpu.memory_space<hbm>> -> memref<1x128x50xi32, #tpu.memory_space<hbm>>
      %dma_wait3A_513 = tpu.memref_squeeze %dma_wait3A_512 : memref<1x128x50xi32, #tpu.memory_space<hbm>> -> memref<128x50xi32, #tpu.memory_space<hbm>>
      %dma_wait3A_514 = arith.constant 0 : i32
      %dma_wait3A_515 = arith.constant 0 : i32
      %dma_wait3A_516 = tpu.memref_slice %arg2[%add3A, %dma_wait3A_514, %dma_wait3A_515] : memref<32x128x50xi32, #tpu.memory_space<hbm>> -> memref<1x128x50xi32, #tpu.memory_space<hbm>>
      %dma_wait3A_517 = tpu.memref_squeeze %dma_wait3A_516 : memref<1x128x50xi32, #tpu.memory_space<hbm>> -> memref<128x50xi32, #tpu.memory_space<hbm>>
      tpu.wait_dma2 semaphore(%run_scoped3A : memref<!tpu.dma_semaphore, #tpu.memory_space<semaphore_mem>>) src(%dma_wait3A_517 : memref<128x50xi32, #tpu.memory_space<hbm>>) dst(%arg5 : memref<128x50xi32, #tpu.memory_space<vmem>>)
      tpu.yield
    }) : () -> ()
    %mul3A_1 = arith.constant 128 : i32
    %mul3A_2 = arith.muli %add3A, %mul3A_1 : i32
    %dma_start3A = arith.constant 0 : i32
    %dma_start3A_3 = arith.constant 0 : i32
    %dma_start3A_4 = arith.constant 0 : i32
    %dma_start3A_5 = arith.constant 0 : i32
    %dma_start3A_6 = tpu.memref_slice %arg6[%dma_start3A_3, %dma_start3A_4, %dma_start3A_5] : memref<2x50x128xf32, #tpu.memory_space<vmem>> -> memref<1x50x128xf32, #tpu.memory_space<vmem>>
    %dma_start3A_7 = tpu.memref_squeeze %dma_start3A_6 : memref<1x50x128xf32, #tpu.memory_space<vmem>> -> memref<50x128xf32, #tpu.memory_space<vmem>>
    %dma_start3A_8 = arith.constant 0 : i32
    %dma_start3A_9 = tpu.memref_slice %arg5[%dma_start3A, %dma_start3A_8] : memref<128x50xi32, #tpu.memory_space<vmem>> -> memref<1x50xi32, #tpu.memory_space<vmem>>
    %dma_start3A_10 = tpu.memref_squeeze %dma_start3A_9 : memref<1x50xi32, #tpu.memory_space<vmem>> -> memref<50xi32, #tpu.memory_space<vmem>>
    %dma_start3A_11 = arith.constant 0 : i32
    %dma_start3A_12 = arith.constant 0 : i32
    %dma_start3A_13 = tpu.memref_slice %arg3[%dma_start3A_11, %dma_start3A_12] : memref<100000x128xf32, #tpu.memory_space<hbm>> -> memref<100000x128xf32, #tpu.memory_space<hbm>>
    tpu.enqueue_indirect_dma source(%dma_start3A_13 : memref<100000x128xf32, #tpu.memory_space<hbm>>) target(%dma_start3A_7 : memref<50x128xf32, #tpu.memory_space<vmem>>) offsets(%dma_start3A_10 : memref<50xi32, #tpu.memory_space<vmem>>) semaphore(%arg14 : memref<!tpu.dma_semaphore, #tpu.memory_space<semaphore_mem>>)
    %dma_start3A_14 = arith.constant 1 : i32
    %dma_start3A_15 = arith.constant 1 : i32
    %dma_start3A_16 = arith.constant 0 : i32
    %dma_start3A_17 = arith.constant 0 : i32
    %dma_start3A_18 = tpu.memref_slice %arg6[%dma_start3A_15, %dma_start3A_16, %dma_start3A_17] : memref<2x50x128xf32, #tpu.memory_space<vmem>> -> memref<1x50x128xf32, #tpu.memory_space<vmem>>
    %dma_start3A_19 = tpu.memref_squeeze %dma_start3A_18 : memref<1x50x128xf32, #tpu.memory_space<vmem>> -> memref<50x128xf32, #tpu.memory_space<vmem>>
    %dma_start3A_20 = arith.constant 0 : i32
    %dma_start3A_21 = tpu.memref_slice %arg5[%dma_start3A_14, %dma_start3A_20] : memref<128x50xi32, #tpu.memory_space<vmem>> -> memref<1x50xi32, #tpu.memory_space<vmem>>
    %dma_start3A_22 = tpu.memref_squeeze %dma_start3A_21 : memref<1x50xi32, #tpu.memory_space<vmem>> -> memref<50xi32, #tpu.memory_space<vmem>>
    %dma_start3A_23 = arith.constant 0 : i32
    %dma_start3A_24 = arith.constant 0 : i32
    %dma_start3A_25 = tpu.memref_slice %arg3[%dma_start3A_23, %dma_start3A_24] : memref<100000x128xf32, #tpu.memory_space<hbm>> -> memref<100000x128xf32, #tpu.memory_space<hbm>>
    tpu.enqueue_indirect_dma source(%dma_start3A_25 : memref<100000x128xf32, #tpu.memory_space<hbm>>) target(%dma_start3A_19 : memref<50x128xf32, #tpu.memory_space<vmem>>) offsets(%dma_start3A_22 : memref<50xi32, #tpu.memory_space<vmem>>) semaphore(%arg14 : memref<!tpu.dma_semaphore, #tpu.memory_space<semaphore_mem>>)
    %dma_start3A_26 = arith.constant 2 : i32
    %dma_start3A_27 = arith.constant 0 : i32
    %dma_start3A_28 = arith.constant 0 : i32
    %dma_start3A_29 = arith.constant 0 : i32
    %dma_start3A_30 = tpu.memref_slice %arg7[%dma_start3A_27, %dma_start3A_28, %dma_start3A_29] : memref<2x50x128xf32, #tpu.memory_space<vmem>> -> memref<1x50x128xf32, #tpu.memory_space<vmem>>
    %dma_start3A_31 = tpu.memref_squeeze %dma_start3A_30 : memref<1x50x128xf32, #tpu.memory_space<vmem>> -> memref<50x128xf32, #tpu.memory_space<vmem>>
    %dma_start3A_32 = arith.constant 0 : i32
    %dma_start3A_33 = tpu.memref_slice %arg5[%dma_start3A_26, %dma_start3A_32] : memref<128x50xi32, #tpu.memory_space<vmem>> -> memref<1x50xi32, #tpu.memory_space<vmem>>
    %dma_start3A_34 = tpu.memref_squeeze %dma_start3A_33 : memref<1x50xi32, #tpu.memory_space<vmem>> -> memref<50xi32, #tpu.memory_space<vmem>>
    %dma_start3A_35 = arith.constant 0 : i32
    %dma_start3A_36 = arith.constant 0 : i32
    %dma_start3A_37 = tpu.memref_slice %arg3[%dma_start3A_35, %dma_start3A_36] : memref<100000x128xf32, #tpu.memory_space<hbm>> -> memref<100000x128xf32, #tpu.memory_space<hbm>>
    tpu.enqueue_indirect_dma source(%dma_start3A_37 : memref<100000x128xf32, #tpu.memory_space<hbm>>) target(%dma_start3A_31 : memref<50x128xf32, #tpu.memory_space<vmem>>) offsets(%dma_start3A_34 : memref<50xi32, #tpu.memory_space<vmem>>) semaphore(%arg15 : memref<!tpu.dma_semaphore, #tpu.memory_space<semaphore_mem>>)
    %dma_start3A_38 = arith.constant 3 : i32
    %dma_start3A_39 = arith.constant 1 : i32
    %dma_start3A_40 = arith.constant 0 : i32
    %dma_start3A_41 = arith.constant 0 : i32
    %dma_start3A_42 = tpu.memref_slice %arg7[%dma_start3A_39, %dma_start3A_40, %dma_start3A_41] : memref<2x50x128xf32, #tpu.memory_space<vmem>> -> memref<1x50x128xf32, #tpu.memory_space<vmem>>
    %dma_start3A_43 = tpu.memref_squeeze %dma_start3A_42 : memref<1x50x128xf32, #tpu.memory_space<vmem>> -> memref<50x128xf32, #tpu.memory_space<vmem>>
    %dma_start3A_44 = arith.constant 0 : i32
    %dma_start3A_45 = tpu.memref_slice %arg5[%dma_start3A_38, %dma_start3A_44] : memref<128x50xi32, #tpu.memory_space<vmem>> -> memref<1x50xi32, #tpu.memory_space<vmem>>
    %dma_start3A_46 = tpu.memref_squeeze %dma_start3A_45 : memref<1x50xi32, #tpu.memory_space<vmem>> -> memref<50xi32, #tpu.memory_space<vmem>>
    %dma_start3A_47 = arith.constant 0 : i32
    %dma_start3A_48 = arith.constant 0 : i32
    %dma_start3A_49 = tpu.memref_slice %arg3[%dma_start3A_47, %dma_start3A_48] : memref<100000x128xf32, #tpu.memory_space<hbm>> -> memref<100000x128xf32, #tpu.memory_space<hbm>>
    tpu.enqueue_indirect_dma source(%dma_start3A_49 : memref<100000x128xf32, #tpu.memory_space<hbm>>) target(%dma_start3A_43 : memref<50x128xf32, #tpu.memory_space<vmem>>) offsets(%dma_start3A_46 : memref<50xi32, #tpu.memory_space<vmem>>) semaphore(%arg15 : memref<!tpu.dma_semaphore, #tpu.memory_space<semaphore_mem>>)
    %dma_start3A_50 = arith.constant 4 : i32
    %dma_start3A_51 = arith.constant 0 : i32
    %dma_start3A_52 = arith.constant 0 : i32
    %dma_start3A_53 = arith.constant 0 : i32
    %dma_start3A_54 = tpu.memref_slice %arg8[%dma_start3A_51, %dma_start3A_52, %dma_start3A_53] : memref<2x50x128xf32, #tpu.memory_space<vmem>> -> memref<1x50x128xf32, #tpu.memory_space<vmem>>
    %dma_start3A_55 = tpu.memref_squeeze %dma_start3A_54 : memref<1x50x128xf32, #tpu.memory_space<vmem>> -> memref<50x128xf32, #tpu.memory_space<vmem>>
    %dma_start3A_56 = arith.constant 0 : i32
    %dma_start3A_57 = tpu.memref_slice %arg5[%dma_start3A_50, %dma_start3A_56] : memref<128x50xi32, #tpu.memory_space<vmem>> -> memref<1x50xi32, #tpu.memory_space<vmem>>
    %dma_start3A_58 = tpu.memref_squeeze %dma_start3A_57 : memref<1x50xi32, #tpu.memory_space<vmem>> -> memref<50xi32, #tpu.memory_space<vmem>>
    %dma_start3A_59 = arith.constant 0 : i32
    %dma_start3A_60 = arith.constant 0 : i32
    %dma_start3A_61 = tpu.memref_slice %arg3[%dma_start3A_59, %dma_start3A_60] : memref<100000x128xf32, #tpu.memory_space<hbm>> -> memref<100000x128xf32, #tpu.memory_space<hbm>>
    tpu.enqueue_indirect_dma source(%dma_start3A_61 : memref<100000x128xf32, #tpu.memory_space<hbm>>) target(%dma_start3A_55 : memref<50x128xf32, #tpu.memory_space<vmem>>) offsets(%dma_start3A_58 : memref<50xi32, #tpu.memory_space<vmem>>) semaphore(%arg16 : memref<!tpu.dma_semaphore, #tpu.memory_space<semaphore_mem>>)
    %dma_start3A_62 = arith.constant 5 : i32
    %dma_start3A_63 = arith.constant 1 : i32
    %dma_start3A_64 = arith.constant 0 : i32
    %dma_start3A_65 = arith.constant 0 : i32
    %dma_start3A_66 = tpu.memref_slice %arg8[%dma_start3A_63, %dma_start3A_64, %dma_start3A_65] : memref<2x50x128xf32, #tpu.memory_space<vmem>> -> memref<1x50x128xf32, #tpu.memory_space<vmem>>
    %dma_start3A_67 = tpu.memref_squeeze %dma_start3A_66 : memref<1x50x128xf32, #tpu.memory_space<vmem>> -> memref<50x128xf32, #tpu.memory_space<vmem>>
    %dma_start3A_68 = arith.constant 0 : i32
    %dma_start3A_69 = tpu.memref_slice %arg5[%dma_start3A_62, %dma_start3A_68] : memref<128x50xi32, #tpu.memory_space<vmem>> -> memref<1x50xi32, #tpu.memory_space<vmem>>
    %dma_start3A_70 = tpu.memref_squeeze %dma_start3A_69 : memref<1x50xi32, #tpu.memory_space<vmem>> -> memref<50xi32, #tpu.memory_space<vmem>>
    %dma_start3A_71 = arith.constant 0 : i32
    %dma_start3A_72 = arith.constant 0 : i32
    %dma_start3A_73 = tpu.memref_slice %arg3[%dma_start3A_71, %dma_start3A_72] : memref<100000x128xf32, #tpu.memory_space<hbm>> -> memref<100000x128xf32, #tpu.memory_space<hbm>>
    tpu.enqueue_indirect_dma source(%dma_start3A_73 : memref<100000x128xf32, #tpu.memory_space<hbm>>) target(%dma_start3A_67 : memref<50x128xf32, #tpu.memory_space<vmem>>) offsets(%dma_start3A_70 : memref<50xi32, #tpu.memory_space<vmem>>) semaphore(%arg16 : memref<!tpu.dma_semaphore, #tpu.memory_space<semaphore_mem>>)
    %dma_start3A_74 = arith.constant 6 : i32
    %dma_start3A_75 = arith.constant 0 : i32
    %dma_start3A_76 = arith.constant 0 : i32
    %dma_start3A_77 = arith.constant 0 : i32
    %dma_start3A_78 = tpu.memref_slice %arg9[%dma_start3A_75, %dma_start3A_76, %dma_start3A_77] : memref<2x50x128xf32, #tpu.memory_space<vmem>> -> memref<1x50x128xf32, #tpu.memory_space<vmem>>
    %dma_start3A_79 = tpu.memref_squeeze %dma_start3A_78 : memref<1x50x128xf32, #tpu.memory_space<vmem>> -> memref<50x128xf32, #tpu.memory_space<vmem>>
    %dma_start3A_80 = arith.constant 0 : i32
    %dma_start3A_81 = tpu.memref_slice %arg5[%dma_start3A_74, %dma_start3A_80] : memref<128x50xi32, #tpu.memory_space<vmem>> -> memref<1x50xi32, #tpu.memory_space<vmem>>
    %dma_start3A_82 = tpu.memref_squeeze %dma_start3A_81 : memref<1x50xi32, #tpu.memory_space<vmem>> -> memref<50xi32, #tpu.memory_space<vmem>>
    %dma_start3A_83 = arith.constant 0 : i32
    %dma_start3A_84 = arith.constant 0 : i32
    %dma_start3A_85 = tpu.memref_slice %arg3[%dma_start3A_83, %dma_start3A_84] : memref<100000x128xf32, #tpu.memory_space<hbm>> -> memref<100000x128xf32, #tpu.memory_space<hbm>>
    tpu.enqueue_indirect_dma source(%dma_start3A_85 : memref<100000x128xf32, #tpu.memory_space<hbm>>) target(%dma_start3A_79 : memref<50x128xf32, #tpu.memory_space<vmem>>) offsets(%dma_start3A_82 : memref<50xi32, #tpu.memory_space<vmem>>) semaphore(%arg17 : memref<!tpu.dma_semaphore, #tpu.memory_space<semaphore_mem>>)
    %dma_start3A_86 = arith.constant 7 : i32
    %dma_start3A_87 = arith.constant 1 : i32
    %dma_start3A_88 = arith.constant 0 : i32
    %dma_start3A_89 = arith.constant 0 : i32
    %dma_start3A_90 = tpu.memref_slice %arg9[%dma_start3A_87, %dma_start3A_88, %dma_start3A_89] : memref<2x50x128xf32, #tpu.memory_space<vmem>> -> memref<1x50x128xf32, #tpu.memory_space<vmem>>
    %dma_start3A_91 = tpu.memref_squeeze %dma_start3A_90 : memref<1x50x128xf32, #tpu.memory_space<vmem>> -> memref<50x128xf32, #tpu.memory_space<vmem>>
    %dma_start3A_92 = arith.constant 0 : i32
    %dma_start3A_93 = tpu.memref_slice %arg5[%dma_start3A_86, %dma_start3A_92] : memref<128x50xi32, #tpu.memory_space<vmem>> -> memref<1x50xi32, #tpu.memory_space<vmem>>
    %dma_start3A_94 = tpu.memref_squeeze %dma_start3A_93 : memref<1x50xi32, #tpu.memory_space<vmem>> -> memref<50xi32, #tpu.memory_space<vmem>>
    %dma_start3A_95 = arith.constant 0 : i32
    %dma_start3A_96 = arith.constant 0 : i32
    %dma_start3A_97 = tpu.memref_slice %arg3[%dma_start3A_95, %dma_start3A_96] : memref<100000x128xf32, #tpu.memory_space<hbm>> -> memref<100000x128xf32, #tpu.memory_space<hbm>>
    tpu.enqueue_indirect_dma source(%dma_start3A_97 : memref<100000x128xf32, #tpu.memory_space<hbm>>) target(%dma_start3A_91 : memref<50x128xf32, #tpu.memory_space<vmem>>) offsets(%dma_start3A_94 : memref<50xi32, #tpu.memory_space<vmem>>) semaphore(%arg17 : memref<!tpu.dma_semaphore, #tpu.memory_space<semaphore_mem>>)
    %dma_start3A_98 = arith.constant 8 : i32
    %dma_start3A_99 = arith.constant 0 : i32
    %dma_start3A_100 = arith.constant 0 : i32
    %dma_start3A_101 = arith.constant 0 : i32
    %dma_start3A_102 = tpu.memref_slice %arg10[%dma_start3A_99, %dma_start3A_100, %dma_start3A_101] : memref<2x50x128xf32, #tpu.memory_space<vmem>> -> memref<1x50x128xf32, #tpu.memory_space<vmem>>
    %dma_start3A_103 = tpu.memref_squeeze %dma_start3A_102 : memref<1x50x128xf32, #tpu.memory_space<vmem>> -> memref<50x128xf32, #tpu.memory_space<vmem>>
    %dma_start3A_104 = arith.constant 0 : i32
    %dma_start3A_105 = tpu.memref_slice %arg5[%dma_start3A_98, %dma_start3A_104] : memref<128x50xi32, #tpu.memory_space<vmem>> -> memref<1x50xi32, #tpu.memory_space<vmem>>
    %dma_start3A_106 = tpu.memref_squeeze %dma_start3A_105 : memref<1x50xi32, #tpu.memory_space<vmem>> -> memref<50xi32, #tpu.memory_space<vmem>>
    %dma_start3A_107 = arith.constant 0 : i32
    %dma_start3A_108 = arith.constant 0 : i32
    %dma_start3A_109 = tpu.memref_slice %arg3[%dma_start3A_107, %dma_start3A_108] : memref<100000x128xf32, #tpu.memory_space<hbm>> -> memref<100000x128xf32, #tpu.memory_space<hbm>>
    tpu.enqueue_indirect_dma source(%dma_start3A_109 : memref<100000x128xf32, #tpu.memory_space<hbm>>) target(%dma_start3A_103 : memref<50x128xf32, #tpu.memory_space<vmem>>) offsets(%dma_start3A_106 : memref<50xi32, #tpu.memory_space<vmem>>) semaphore(%arg18 : memref<!tpu.dma_semaphore, #tpu.memory_space<semaphore_mem>>)
    %dma_start3A_110 = arith.constant 9 : i32
    %dma_start3A_111 = arith.constant 1 : i32
    %dma_start3A_112 = arith.constant 0 : i32
    %dma_start3A_113 = arith.constant 0 : i32
    %dma_start3A_114 = tpu.memref_slice %arg10[%dma_start3A_111, %dma_start3A_112, %dma_start3A_113] : memref<2x50x128xf32, #tpu.memory_space<vmem>> -> memref<1x50x128xf32, #tpu.memory_space<vmem>>
    %dma_start3A_115 = tpu.memref_squeeze %dma_start3A_114 : memref<1x50x128xf32, #tpu.memory_space<vmem>> -> memref<50x128xf32, #tpu.memory_space<vmem>>
    %dma_start3A_116 = arith.constant 0 : i32
    %dma_start3A_117 = tpu.memref_slice %arg5[%dma_start3A_110, %dma_start3A_116] : memref<128x50xi32, #tpu.memory_space<vmem>> -> memref<1x50xi32, #tpu.memory_space<vmem>>
    %dma_start3A_118 = tpu.memref_squeeze %dma_start3A_117 : memref<1x50xi32, #tpu.memory_space<vmem>> -> memref<50xi32, #tpu.memory_space<vmem>>
    %dma_start3A_119 = arith.constant 0 : i32
    %dma_start3A_120 = arith.constant 0 : i32
    %dma_start3A_121 = tpu.memref_slice %arg3[%dma_start3A_119, %dma_start3A_120] : memref<100000x128xf32, #tpu.memory_space<hbm>> -> memref<100000x128xf32, #tpu.memory_space<hbm>>
    tpu.enqueue_indirect_dma source(%dma_start3A_121 : memref<100000x128xf32, #tpu.memory_space<hbm>>) target(%dma_start3A_115 : memref<50x128xf32, #tpu.memory_space<vmem>>) offsets(%dma_start3A_118 : memref<50xi32, #tpu.memory_space<vmem>>) semaphore(%arg18 : memref<!tpu.dma_semaphore, #tpu.memory_space<semaphore_mem>>)
    %dma_start3A_122 = arith.constant 10 : i32
    %dma_start3A_123 = arith.constant 0 : i32
    %dma_start3A_124 = arith.constant 0 : i32
    %dma_start3A_125 = arith.constant 0 : i32
    %dma_start3A_126 = tpu.memref_slice %arg11[%dma_start3A_123, %dma_start3A_124, %dma_start3A_125] : memref<2x50x128xf32, #tpu.memory_space<vmem>> -> memref<1x50x128xf32, #tpu.memory_space<vmem>>
    %dma_start3A_127 = tpu.memref_squeeze %dma_start3A_126 : memref<1x50x128xf32, #tpu.memory_space<vmem>> -> memref<50x128xf32, #tpu.memory_space<vmem>>
    %dma_start3A_128 = arith.constant 0 : i32
    %dma_start3A_129 = tpu.memref_slice %arg5[%dma_start3A_122, %dma_start3A_128] : memref<128x50xi32, #tpu.memory_space<vmem>> -> memref<1x50xi32, #tpu.memory_space<vmem>>
    %dma_start3A_130 = tpu.memref_squeeze %dma_start3A_129 : memref<1x50xi32, #tpu.memory_space<vmem>> -> memref<50xi32, #tpu.memory_space<vmem>>
    %dma_start3A_131 = arith.constant 0 : i32
    %dma_start3A_132 = arith.constant 0 : i32
    %dma_start3A_133 = tpu.memref_slice %arg3[%dma_start3A_131, %dma_start3A_132] : memref<100000x128xf32, #tpu.memory_space<hbm>> -> memref<100000x128xf32, #tpu.memory_space<hbm>>
    tpu.enqueue_indirect_dma source(%dma_start3A_133 : memref<100000x128xf32, #tpu.memory_space<hbm>>) target(%dma_start3A_127 : memref<50x128xf32, #tpu.memory_space<vmem>>) offsets(%dma_start3A_130 : memref<50xi32, #tpu.memory_space<vmem>>) semaphore(%arg19 : memref<!tpu.dma_semaphore, #tpu.memory_space<semaphore_mem>>)
    %dma_start3A_134 = arith.constant 11 : i32
    %dma_start3A_135 = arith.constant 1 : i32
    %dma_start3A_136 = arith.constant 0 : i32
    %dma_start3A_137 = arith.constant 0 : i32
    %dma_start3A_138 = tpu.memref_slice %arg11[%dma_start3A_135, %dma_start3A_136, %dma_start3A_137] : memref<2x50x128xf32, #tpu.memory_space<vmem>> -> memref<1x50x128xf32, #tpu.memory_space<vmem>>
    %dma_start3A_139 = tpu.memref_squeeze %dma_start3A_138 : memref<1x50x128xf32, #tpu.memory_space<vmem>> -> memref<50x128xf32, #tpu.memory_space<vmem>>
    %dma_start3A_140 = arith.constant 0 : i32
    %dma_start3A_141 = tpu.memref_slice %arg5[%dma_start3A_134, %dma_start3A_140] : memref<128x50xi32, #tpu.memory_space<vmem>> -> memref<1x50xi32, #tpu.memory_space<vmem>>
    %dma_start3A_142 = tpu.memref_squeeze %dma_start3A_141 : memref<1x50xi32, #tpu.memory_space<vmem>> -> memref<50xi32, #tpu.memory_space<vmem>>
    %dma_start3A_143 = arith.constant 0 : i32
    %dma_start3A_144 = arith.constant 0 : i32
    %dma_start3A_145 = tpu.memref_slice %arg3[%dma_start3A_143, %dma_start3A_144] : memref<100000x128xf32, #tpu.memory_space<hbm>> -> memref<100000x128xf32, #tpu.memory_space<hbm>>
    tpu.enqueue_indirect_dma source(%dma_start3A_145 : memref<100000x128xf32, #tpu.memory_space<hbm>>) target(%dma_start3A_139 : memref<50x128xf32, #tpu.memory_space<vmem>>) offsets(%dma_start3A_142 : memref<50xi32, #tpu.memory_space<vmem>>) semaphore(%arg19 : memref<!tpu.dma_semaphore, #tpu.memory_space<semaphore_mem>>)
    %dma_start3A_146 = arith.constant 12 : i32
    %dma_start3A_147 = arith.constant 0 : i32
    %dma_start3A_148 = arith.constant 0 : i32
    %dma_start3A_149 = arith.constant 0 : i32
    %dma_start3A_150 = tpu.memref_slice %arg12[%dma_start3A_147, %dma_start3A_148, %dma_start3A_149] : memref<2x50x128xf32, #tpu.memory_space<vmem>> -> memref<1x50x128xf32, #tpu.memory_space<vmem>>
    %dma_start3A_151 = tpu.memref_squeeze %dma_start3A_150 : memref<1x50x128xf32, #tpu.memory_space<vmem>> -> memref<50x128xf32, #tpu.memory_space<vmem>>
    %dma_start3A_152 = arith.constant 0 : i32
    %dma_start3A_153 = tpu.memref_slice %arg5[%dma_start3A_146, %dma_start3A_152] : memref<128x50xi32, #tpu.memory_space<vmem>> -> memref<1x50xi32, #tpu.memory_space<vmem>>
    %dma_start3A_154 = tpu.memref_squeeze %dma_start3A_153 : memref<1x50xi32, #tpu.memory_space<vmem>> -> memref<50xi32, #tpu.memory_space<vmem>>
    %dma_start3A_155 = arith.constant 0 : i32
    %dma_start3A_156 = arith.constant 0 : i32
    %dma_start3A_157 = tpu.memref_slice %arg3[%dma_start3A_155, %dma_start3A_156] : memref<100000x128xf32, #tpu.memory_space<hbm>> -> memref<100000x128xf32, #tpu.memory_space<hbm>>
    tpu.enqueue_indirect_dma source(%dma_start3A_157 : memref<100000x128xf32, #tpu.memory_space<hbm>>) target(%dma_start3A_151 : memref<50x128xf32, #tpu.memory_space<vmem>>) offsets(%dma_start3A_154 : memref<50xi32, #tpu.memory_space<vmem>>) semaphore(%arg20 : memref<!tpu.dma_semaphore, #tpu.memory_space<semaphore_mem>>)
    %dma_start3A_158 = arith.constant 13 : i32
    %dma_start3A_159 = arith.constant 1 : i32
    %dma_start3A_160 = arith.constant 0 : i32
    %dma_start3A_161 = arith.constant 0 : i32
    %dma_start3A_162 = tpu.memref_slice %arg12[%dma_start3A_159, %dma_start3A_160, %dma_start3A_161] : memref<2x50x128xf32, #tpu.memory_space<vmem>> -> memref<1x50x128xf32, #tpu.memory_space<vmem>>
    %dma_start3A_163 = tpu.memref_squeeze %dma_start3A_162 : memref<1x50x128xf32, #tpu.memory_space<vmem>> -> memref<50x128xf32, #tpu.memory_space<vmem>>
    %dma_start3A_164 = arith.constant 0 : i32
    %dma_start3A_165 = tpu.memref_slice %arg5[%dma_start3A_158, %dma_start3A_164] : memref<128x50xi32, #tpu.memory_space<vmem>> -> memref<1x50xi32, #tpu.memory_space<vmem>>
    %dma_start3A_166 = tpu.memref_squeeze %dma_start3A_165 : memref<1x50xi32, #tpu.memory_space<vmem>> -> memref<50xi32, #tpu.memory_space<vmem>>
    %dma_start3A_167 = arith.constant 0 : i32
    %dma_start3A_168 = arith.constant 0 : i32
    %dma_start3A_169 = tpu.memref_slice %arg3[%dma_start3A_167, %dma_start3A_168] : memref<100000x128xf32, #tpu.memory_space<hbm>> -> memref<100000x128xf32, #tpu.memory_space<hbm>>
    tpu.enqueue_indirect_dma source(%dma_start3A_169 : memref<100000x128xf32, #tpu.memory_space<hbm>>) target(%dma_start3A_163 : memref<50x128xf32, #tpu.memory_space<vmem>>) offsets(%dma_start3A_166 : memref<50xi32, #tpu.memory_space<vmem>>) semaphore(%arg20 : memref<!tpu.dma_semaphore, #tpu.memory_space<semaphore_mem>>)
    %dma_wait3A = arith.constant 0 : i32
    %dma_wait3A_170 = arith.constant 0 : i32
    %dma_wait3A_171 = arith.constant 0 : i32
    %dma_wait3A_172 = arith.constant 0 : i32
    %dma_wait3A_173 = tpu.memref_slice %arg6[%dma_wait3A_170, %dma_wait3A_171, %dma_wait3A_172] : memref<2x50x128xf32, #tpu.memory_space<vmem>> -> memref<1x50x128xf32, #tpu.memory_space<vmem>>
    %dma_wait3A_174 = tpu.memref_squeeze %dma_wait3A_173 : memref<1x50x128xf32, #tpu.memory_space<vmem>> -> memref<50x128xf32, #tpu.memory_space<vmem>>
    %dma_wait3A_175 = arith.constant 0 : i32
    %dma_wait3A_176 = tpu.memref_slice %arg5[%dma_wait3A, %dma_wait3A_175] : memref<128x50xi32, #tpu.memory_space<vmem>> -> memref<1x50xi32, #tpu.memory_space<vmem>>
    %dma_wait3A_177 = tpu.memref_squeeze %dma_wait3A_176 : memref<1x50xi32, #tpu.memory_space<vmem>> -> memref<50xi32, #tpu.memory_space<vmem>>
    %dma_wait3A_178 = arith.constant 0 : i32
    %dma_wait3A_179 = arith.constant 0 : i32
    %dma_wait3A_180 = tpu.memref_slice %arg3[%dma_wait3A_178, %dma_wait3A_179] : memref<100000x128xf32, #tpu.memory_space<hbm>> -> memref<100000x128xf32, #tpu.memory_space<hbm>>
    tpu.wait_indirect_dma semaphore(%arg14 : memref<!tpu.dma_semaphore, #tpu.memory_space<semaphore_mem>>) src(%dma_wait3A_180 : memref<100000x128xf32, #tpu.memory_space<hbm>>) dst(%dma_wait3A_174 : memref<50x128xf32, #tpu.memory_space<vmem>>)
    %dma_wait3A_181 = arith.constant 0 : i32
    %dma_wait3A_182 = arith.constant 1 : i32
    %dma_wait3A_183 = arith.constant 0 : i32
    %dma_wait3A_184 = arith.constant 0 : i32
    %dma_wait3A_185 = tpu.memref_slice %arg6[%dma_wait3A_182, %dma_wait3A_183, %dma_wait3A_184] : memref<2x50x128xf32, #tpu.memory_space<vmem>> -> memref<1x50x128xf32, #tpu.memory_space<vmem>>
    %dma_wait3A_186 = tpu.memref_squeeze %dma_wait3A_185 : memref<1x50x128xf32, #tpu.memory_space<vmem>> -> memref<50x128xf32, #tpu.memory_space<vmem>>
    %dma_wait3A_187 = arith.constant 0 : i32
    %dma_wait3A_188 = tpu.memref_slice %arg5[%dma_wait3A_181, %dma_wait3A_187] : memref<128x50xi32, #tpu.memory_space<vmem>> -> memref<1x50xi32, #tpu.memory_space<vmem>>
    %dma_wait3A_189 = tpu.memref_squeeze %dma_wait3A_188 : memref<1x50xi32, #tpu.memory_space<vmem>> -> memref<50xi32, #tpu.memory_space<vmem>>
    %dma_wait3A_190 = arith.constant 0 : i32
    %dma_wait3A_191 = arith.constant 0 : i32
    %dma_wait3A_192 = tpu.memref_slice %arg3[%dma_wait3A_190, %dma_wait3A_191] : memref<100000x128xf32, #tpu.memory_space<hbm>> -> memref<100000x128xf32, #tpu.memory_space<hbm>>
    tpu.wait_indirect_dma semaphore(%arg14 : memref<!tpu.dma_semaphore, #tpu.memory_space<semaphore_mem>>) src(%dma_wait3A_192 : memref<100000x128xf32, #tpu.memory_space<hbm>>) dst(%dma_wait3A_186 : memref<50x128xf32, #tpu.memory_space<vmem>>)
    %add3A_193 = arith.constant 0 : i32
    %add3A_194 = arith.addi %mul3A_2, %add3A_193 : i32
    %dma_start3A_195 = arith.constant 0 : i32
    %dma_start3A_196 = arith.constant 0 : i32
    %dma_start3A_197 = tpu.memref_slice %arg4[%add3A_194, %dma_start3A_195, %dma_start3A_196] : memref<4096x50x128xf32, #tpu.memory_space<hbm>> -> memref<2x50x128xf32, #tpu.memory_space<hbm>>
    %dma_start3A_198 = arith.constant 0 : i32
    %dma_start3A_199 = arith.constant 0 : i32
    %dma_start3A_200 = tpu.memref_slice %arg4[%add3A_194, %dma_start3A_198, %dma_start3A_199] : memref<4096x50x128xf32, #tpu.memory_space<hbm>> -> memref<2x50x128xf32, #tpu.memory_space<hbm>>
    tpu.enqueue_dma source(%arg6 : memref<2x50x128xf32, #tpu.memory_space<vmem>>) target(%dma_start3A_200 : memref<2x50x128xf32, #tpu.memory_space<hbm>>) target_semaphore(%arg22 : memref<!tpu.dma_semaphore, #tpu.memory_space<semaphore_mem>>)
    %dma_start3A_201 = arith.constant 14 : i32
    %dma_start3A_202 = arith.constant 0 : i32
    %dma_start3A_203 = arith.constant 0 : i32
    %dma_start3A_204 = arith.constant 0 : i32
    %dma_start3A_205 = tpu.memref_slice %arg13[%dma_start3A_202, %dma_start3A_203, %dma_start3A_204] : memref<2x50x128xf32, #tpu.memory_space<vmem>> -> memref<1x50x128xf32, #tpu.memory_space<vmem>>
    %dma_start3A_206 = tpu.memref_squeeze %dma_start3A_205 : memref<1x50x128xf32, #tpu.memory_space<vmem>> -> memref<50x128xf32, #tpu.memory_space<vmem>>
    %dma_start3A_207 = arith.constant 0 : i32
    %dma_start3A_208 = tpu.memref_slice %arg5[%dma_start3A_201, %dma_start3A_207] : memref<128x50xi32, #tpu.memory_space<vmem>> -> memref<1x50xi32, #tpu.memory_space<vmem>>
    %dma_start3A_209 = tpu.memref_squeeze %dma_start3A_208 : memref<1x50xi32, #tpu.memory_space<vmem>> -> memref<50xi32, #tpu.memory_space<vmem>>
    %dma_start3A_210 = arith.constant 0 : i32
    %dma_start3A_211 = arith.constant 0 : i32
    %dma_start3A_212 = tpu.memref_slice %arg3[%dma_start3A_210, %dma_start3A_211] : memref<100000x128xf32, #tpu.memory_space<hbm>> -> memref<100000x128xf32, #tpu.memory_space<hbm>>
    tpu.enqueue_indirect_dma source(%dma_start3A_212 : memref<100000x128xf32, #tpu.memory_space<hbm>>) target(%dma_start3A_206 : memref<50x128xf32, #tpu.memory_space<vmem>>) offsets(%dma_start3A_209 : memref<50xi32, #tpu.memory_space<vmem>>) semaphore(%arg21 : memref<!tpu.dma_semaphore, #tpu.memory_space<semaphore_mem>>)
    %dma_start3A_213 = arith.constant 15 : i32
    %dma_start3A_214 = arith.constant 1 : i32
    %dma_start3A_215 = arith.constant 0 : i32
    %dma_start3A_216 = arith.constant 0 : i32
    %dma_start3A_217 = tpu.memref_slice %arg13[%dma_start3A_214, %dma_start3A_215, %dma_start3A_216] : memref<2x50x128xf32, #tpu.memory_space<vmem>> -> memref<1x50x128xf32, #tpu.memory_space<vmem>>
    %dma_start3A_218 = tpu.memref_squeeze %dma_start3A_217 : memref<1x50x128xf32, #tpu.memory_space<vmem>> -> memref<50x128xf32, #tpu.memory_space<vmem>>
    %dma_start3A_219 = arith.constant 0 : i32
    %dma_start3A_220 = tpu.memref_slice %arg5[%dma_start3A_213, %dma_start3A_219] : memref<128x50xi32, #tpu.memory_space<vmem>> -> memref<1x50xi32, #tpu.memory_space<vmem>>
    %dma_start3A_221 = tpu.memref_squeeze %dma_start3A_220 : memref<1x50xi32, #tpu.memory_space<vmem>> -> memref<50xi32, #tpu.memory_space<vmem>>
    %dma_start3A_222 = arith.constant 0 : i32
    %dma_start3A_223 = arith.constant 0 : i32
    %dma_start3A_224 = tpu.memref_slice %arg3[%dma_start3A_222, %dma_start3A_223] : memref<100000x128xf32, #tpu.memory_space<hbm>> -> memref<100000x128xf32, #tpu.memory_space<hbm>>
    tpu.enqueue_indirect_dma source(%dma_start3A_224 : memref<100000x128xf32, #tpu.memory_space<hbm>>) target(%dma_start3A_218 : memref<50x128xf32, #tpu.memory_space<vmem>>) offsets(%dma_start3A_221 : memref<50xi32, #tpu.memory_space<vmem>>) semaphore(%arg21 : memref<!tpu.dma_semaphore, #tpu.memory_space<semaphore_mem>>)
    %scan3A = arith.constant 0 : i32
    %scan3A_225 = arith.constant 0 : i32
    %scan3A_226 = arith.constant 7 : i32
    %scan3A_227 = arith.addi %scan3A_225, %scan3A_226 : i32
    %scan3A_228 = arith.constant 1 : i32
    scf.for %scan3A_502 = %scan3A_225 to %scan3A_227 step %scan3A_228  : i32 {
      %mul3A_503 = arith.constant 8 : i32
      %mul3A_504 = arith.muli %scan3A_502, %mul3A_503 : i32
      %add3A_505 = arith.constant 1 : i32
      %add3A_506 = arith.addi %mul3A_504, %add3A_505 : i32
      %add3A_507 = arith.constant 0 : i32
      %add3A_508 = arith.addi %add3A_506, %add3A_507 : i32
      %dma_wait3A_509 = arith.constant 0 : i32
      %dma_wait3A_510 = arith.constant 0 : i32
      %dma_wait3A_511 = tpu.memref_slice %arg4[%mul3A_2, %dma_wait3A_509, %dma_wait3A_510] : memref<4096x50x128xf32, #tpu.memory_space<hbm>> -> memref<2x50x128xf32, #tpu.memory_space<hbm>>
      %dma_wait3A_512 = arith.constant 0 : i32
      %dma_wait3A_513 = arith.constant 0 : i32
      %dma_wait3A_514 = tpu.memref_slice %arg4[%mul3A_2, %dma_wait3A_512, %dma_wait3A_513] : memref<4096x50x128xf32, #tpu.memory_space<hbm>> -> memref<2x50x128xf32, #tpu.memory_space<hbm>>
      tpu.wait_dma2 semaphore(%arg22 : memref<!tpu.dma_semaphore, #tpu.memory_space<semaphore_mem>>) src(%arg6 : memref<2x50x128xf32, #tpu.memory_space<vmem>>) dst(%dma_wait3A_514 : memref<2x50x128xf32, #tpu.memory_space<hbm>>)
      %add3A_515 = arith.constant 7 : i32
      %add3A_516 = arith.addi %add3A_508, %add3A_515 : i32
      %mul3A_517 = arith.constant 2 : i32
      %mul3A_518 = arith.muli %add3A_516, %mul3A_517 : i32
      %add3A_519 = arith.constant 0 : i32
      %add3A_520 = arith.addi %mul3A_518, %add3A_519 : i32
      %dma_start3A_521 = arith.constant 0 : i32
      %dma_start3A_522 = arith.constant 0 : i32
      %dma_start3A_523 = arith.constant 0 : i32
      %dma_start3A_524 = tpu.memref_slice %arg6[%dma_start3A_521, %dma_start3A_522, %dma_start3A_523] : memref<2x50x128xf32, #tpu.memory_space<vmem>> -> memref<1x50x128xf32, #tpu.memory_space<vmem>>
      %dma_start3A_525 = tpu.memref_squeeze %dma_start3A_524 : memref<1x50x128xf32, #tpu.memory_space<vmem>> -> memref<50x128xf32, #tpu.memory_space<vmem>>
      %dma_start3A_526 = arith.constant 0 : i32
      %dma_start3A_527 = tpu.memref_slice %arg5[%add3A_520, %dma_start3A_526] : memref<128x50xi32, #tpu.memory_space<vmem>> -> memref<1x50xi32, #tpu.memory_space<vmem>>
      %dma_start3A_528 = tpu.memref_squeeze %dma_start3A_527 : memref<1x50xi32, #tpu.memory_space<vmem>> -> memref<50xi32, #tpu.memory_space<vmem>>
      %dma_start3A_529 = arith.constant 0 : i32
      %dma_start3A_530 = arith.constant 0 : i32
      %dma_start3A_531 = tpu.memref_slice %arg3[%dma_start3A_529, %dma_start3A_530] : memref<100000x128xf32, #tpu.memory_space<hbm>> -> memref<100000x128xf32, #tpu.memory_space<hbm>>
      tpu.enqueue_indirect_dma source(%dma_start3A_531 : memref<100000x128xf32, #tpu.memory_space<hbm>>) target(%dma_start3A_525 : memref<50x128xf32, #tpu.memory_space<vmem>>) offsets(%dma_start3A_528 : memref<50xi32, #tpu.memory_space<vmem>>) semaphore(%arg14 : memref<!tpu.dma_semaphore, #tpu.memory_space<semaphore_mem>>)
      %mul3A_532 = arith.constant 2 : i32
      %mul3A_533 = arith.muli %add3A_516, %mul3A_532 : i32
      %add3A_534 = arith.constant 1 : i32
      %add3A_535 = arith.addi %mul3A_533, %add3A_534 : i32
      %dma_start3A_536 = arith.constant 1 : i32
      %dma_start3A_537 = arith.constant 0 : i32
      %dma_start3A_538 = arith.constant 0 : i32
      %dma_start3A_539 = tpu.memref_slice %arg6[%dma_start3A_536, %dma_start3A_537, %dma_start3A_538] : memref<2x50x128xf32, #tpu.memory_space<vmem>> -> memref<1x50x128xf32, #tpu.memory_space<vmem>>
      %dma_start3A_540 = tpu.memref_squeeze %dma_start3A_539 : memref<1x50x128xf32, #tpu.memory_space<vmem>> -> memref<50x128xf32, #tpu.memory_space<vmem>>
      %dma_start3A_541 = arith.constant 0 : i32
      %dma_start3A_542 = tpu.memref_slice %arg5[%add3A_535, %dma_start3A_541] : memref<128x50xi32, #tpu.memory_space<vmem>> -> memref<1x50xi32, #tpu.memory_space<vmem>>
      %dma_start3A_543 = tpu.memref_squeeze %dma_start3A_542 : memref<1x50xi32, #tpu.memory_space<vmem>> -> memref<50xi32, #tpu.memory_space<vmem>>
      %dma_start3A_544 = arith.constant 0 : i32
      %dma_start3A_545 = arith.constant 0 : i32
      %dma_start3A_546 = tpu.memref_slice %arg3[%dma_start3A_544, %dma_start3A_545] : memref<100000x128xf32, #tpu.memory_space<hbm>> -> memref<100000x128xf32, #tpu.memory_space<hbm>>
      tpu.enqueue_indirect_dma source(%dma_start3A_546 : memref<100000x128xf32, #tpu.memory_space<hbm>>) target(%dma_start3A_540 : memref<50x128xf32, #tpu.memory_space<vmem>>) offsets(%dma_start3A_543 : memref<50xi32, #tpu.memory_space<vmem>>) semaphore(%arg14 : memref<!tpu.dma_semaphore, #tpu.memory_space<semaphore_mem>>)
      %dma_wait3A_547 = arith.constant 0 : i32
      %dma_wait3A_548 = arith.constant 0 : i32
      %dma_wait3A_549 = arith.constant 0 : i32
      %dma_wait3A_550 = arith.constant 0 : i32
      %dma_wait3A_551 = tpu.memref_slice %arg7[%dma_wait3A_548, %dma_wait3A_549, %dma_wait3A_550] : memref<2x50x128xf32, #tpu.memory_space<vmem>> -> memref<1x50x128xf32, #tpu.memory_space<vmem>>
      %dma_wait3A_552 = tpu.memref_squeeze %dma_wait3A_551 : memref<1x50x128xf32, #tpu.memory_space<vmem>> -> memref<50x128xf32, #tpu.memory_space<vmem>>
      %dma_wait3A_553 = arith.constant 0 : i32
      %dma_wait3A_554 = tpu.memref_slice %arg5[%dma_wait3A_547, %dma_wait3A_553] : memref<128x50xi32, #tpu.memory_space<vmem>> -> memref<1x50xi32, #tpu.memory_space<vmem>>
      %dma_wait3A_555 = tpu.memref_squeeze %dma_wait3A_554 : memref<1x50xi32, #tpu.memory_space<vmem>> -> memref<50xi32, #tpu.memory_space<vmem>>
      %dma_wait3A_556 = arith.constant 0 : i32
      %dma_wait3A_557 = arith.constant 0 : i32
      %dma_wait3A_558 = tpu.memref_slice %arg3[%dma_wait3A_556, %dma_wait3A_557] : memref<100000x128xf32, #tpu.memory_space<hbm>> -> memref<100000x128xf32, #tpu.memory_space<hbm>>
      tpu.wait_indirect_dma semaphore(%arg15 : memref<!tpu.dma_semaphore, #tpu.memory_space<semaphore_mem>>) src(%dma_wait3A_558 : memref<100000x128xf32, #tpu.memory_space<hbm>>) dst(%dma_wait3A_552 : memref<50x128xf32, #tpu.memory_space<vmem>>)
      %dma_wait3A_559 = arith.constant 0 : i32
      %dma_wait3A_560 = arith.constant 1 : i32
      %dma_wait3A_561 = arith.constant 0 : i32
      %dma_wait3A_562 = arith.constant 0 : i32
      %dma_wait3A_563 = tpu.memref_slice %arg7[%dma_wait3A_560, %dma_wait3A_561, %dma_wait3A_562] : memref<2x50x128xf32, #tpu.memory_space<vmem>> -> memref<1x50x128xf32, #tpu.memory_space<vmem>>
      %dma_wait3A_564 = tpu.memref_squeeze %dma_wait3A_563 : memref<1x50x128xf32, #tpu.memory_space<vmem>> -> memref<50x128xf32, #tpu.memory_space<vmem>>
      %dma_wait3A_565 = arith.constant 0 : i32
      %dma_wait3A_566 = tpu.memref_slice %arg5[%dma_wait3A_559, %dma_wait3A_565] : memref<128x50xi32, #tpu.memory_space<vmem>> -> memref<1x50xi32, #tpu.memory_space<vmem>>
      %dma_wait3A_567 = tpu.memref_squeeze %dma_wait3A_566 : memref<1x50xi32, #tpu.memory_space<vmem>> -> memref<50xi32, #tpu.memory_space<vmem>>
      %dma_wait3A_568 = arith.constant 0 : i32
      %dma_wait3A_569 = arith.constant 0 : i32
      %dma_wait3A_570 = tpu.memref_slice %arg3[%dma_wait3A_568, %dma_wait3A_569] : memref<100000x128xf32, #tpu.memory_space<hbm>> -> memref<100000x128xf32, #tpu.memory_space<hbm>>
      tpu.wait_indirect_dma semaphore(%arg15 : memref<!tpu.dma_semaphore, #tpu.memory_space<semaphore_mem>>) src(%dma_wait3A_570 : memref<100000x128xf32, #tpu.memory_space<hbm>>) dst(%dma_wait3A_564 : memref<50x128xf32, #tpu.memory_space<vmem>>)
      %mul3A_571 = arith.constant 2 : i32
      %mul3A_572 = arith.muli %add3A_508, %mul3A_571 : i32
      %add3A_573 = arith.addi %mul3A_2, %mul3A_572 : i32
      %dma_start3A_574 = arith.constant 0 : i32
      %dma_start3A_575 = arith.constant 0 : i32
      %dma_start3A_576 = tpu.memref_slice %arg4[%add3A_573, %dma_start3A_574, %dma_start3A_575] : memref<4096x50x128xf32, #tpu.memory_space<hbm>> -> memref<2x50x128xf32, #tpu.memory_space<hbm>>
      %dma_start3A_577 = arith.constant 0 : i32
      %dma_start3A_578 = arith.constant 0 : i32
      %dma_start3A_579 = tpu.memref_slice %arg4[%add3A_573, %dma_start3A_577, %dma_start3A_578] : memref<4096x50x128xf32, #tpu.memory_space<hbm>> -> memref<2x50x128xf32, #tpu.memory_space<hbm>>
      tpu.enqueue_dma source(%arg7 : memref<2x50x128xf32, #tpu.memory_space<vmem>>) target(%dma_start3A_579 : memref<2x50x128xf32, #tpu.memory_space<hbm>>) target_semaphore(%arg23 : memref<!tpu.dma_semaphore, #tpu.memory_space<semaphore_mem>>)
      %mul3A_580 = arith.constant 8 : i32
      %mul3A_581 = arith.muli %scan3A_502, %mul3A_580 : i32
      %add3A_582 = arith.constant 1 : i32
      %add3A_583 = arith.addi %mul3A_581, %add3A_582 : i32
      %add3A_584 = arith.constant 1 : i32
      %add3A_585 = arith.addi %add3A_583, %add3A_584 : i32
      %dma_wait3A_586 = arith.constant 0 : i32
      %dma_wait3A_587 = arith.constant 0 : i32
      %dma_wait3A_588 = tpu.memref_slice %arg4[%mul3A_2, %dma_wait3A_586, %dma_wait3A_587] : memref<4096x50x128xf32, #tpu.memory_space<hbm>> -> memref<2x50x128xf32, #tpu.memory_space<hbm>>
      %dma_wait3A_589 = arith.constant 0 : i32
      %dma_wait3A_590 = arith.constant 0 : i32
      %dma_wait3A_591 = tpu.memref_slice %arg4[%mul3A_2, %dma_wait3A_589, %dma_wait3A_590] : memref<4096x50x128xf32, #tpu.memory_space<hbm>> -> memref<2x50x128xf32, #tpu.memory_space<hbm>>
      tpu.wait_dma2 semaphore(%arg23 : memref<!tpu.dma_semaphore, #tpu.memory_space<semaphore_mem>>) src(%arg7 : memref<2x50x128xf32, #tpu.memory_space<vmem>>) dst(%dma_wait3A_591 : memref<2x50x128xf32, #tpu.memory_space<hbm>>)
      %add3A_592 = arith.constant 7 : i32
      %add3A_593 = arith.addi %add3A_585, %add3A_592 : i32
      %mul3A_594 = arith.constant 2 : i32
      %mul3A_595 = arith.muli %add3A_593, %mul3A_594 : i32
      %add3A_596 = arith.constant 0 : i32
      %add3A_597 = arith.addi %mul3A_595, %add3A_596 : i32
      %dma_start3A_598 = arith.constant 0 : i32
      %dma_start3A_599 = arith.constant 0 : i32
      %dma_start3A_600 = arith.constant 0 : i32
      %dma_start3A_601 = tpu.memref_slice %arg7[%dma_start3A_598, %dma_start3A_599, %dma_start3A_600] : memref<2x50x128xf32, #tpu.memory_space<vmem>> -> memref<1x50x128xf32, #tpu.memory_space<vmem>>
      %dma_start3A_602 = tpu.memref_squeeze %dma_start3A_601 : memref<1x50x128xf32, #tpu.memory_space<vmem>> -> memref<50x128xf32, #tpu.memory_space<vmem>>
      %dma_start3A_603 = arith.constant 0 : i32
      %dma_start3A_604 = tpu.memref_slice %arg5[%add3A_597, %dma_start3A_603] : memref<128x50xi32, #tpu.memory_space<vmem>> -> memref<1x50xi32, #tpu.memory_space<vmem>>
      %dma_start3A_605 = tpu.memref_squeeze %dma_start3A_604 : memref<1x50xi32, #tpu.memory_space<vmem>> -> memref<50xi32, #tpu.memory_space<vmem>>
      %dma_start3A_606 = arith.constant 0 : i32
      %dma_start3A_607 = arith.constant 0 : i32
      %dma_start3A_608 = tpu.memref_slice %arg3[%dma_start3A_606, %dma_start3A_607] : memref<100000x128xf32, #tpu.memory_space<hbm>> -> memref<100000x128xf32, #tpu.memory_space<hbm>>
      tpu.enqueue_indirect_dma source(%dma_start3A_608 : memref<100000x128xf32, #tpu.memory_space<hbm>>) target(%dma_start3A_602 : memref<50x128xf32, #tpu.memory_space<vmem>>) offsets(%dma_start3A_605 : memref<50xi32, #tpu.memory_space<vmem>>) semaphore(%arg15 : memref<!tpu.dma_semaphore, #tpu.memory_space<semaphore_mem>>)
      %mul3A_609 = arith.constant 2 : i32
      %mul3A_610 = arith.muli %add3A_593, %mul3A_609 : i32
      %add3A_611 = arith.constant 1 : i32
      %add3A_612 = arith.addi %mul3A_610, %add3A_611 : i32
      %dma_start3A_613 = arith.constant 1 : i32
      %dma_start3A_614 = arith.constant 0 : i32
      %dma_start3A_615 = arith.constant 0 : i32
      %dma_start3A_616 = tpu.memref_slice %arg7[%dma_start3A_613, %dma_start3A_614, %dma_start3A_615] : memref<2x50x128xf32, #tpu.memory_space<vmem>> -> memref<1x50x128xf32, #tpu.memory_space<vmem>>
      %dma_start3A_617 = tpu.memref_squeeze %dma_start3A_616 : memref<1x50x128xf32, #tpu.memory_space<vmem>> -> memref<50x128xf32, #tpu.memory_space<vmem>>
      %dma_start3A_618 = arith.constant 0 : i32
      %dma_start3A_619 = tpu.memref_slice %arg5[%add3A_612, %dma_start3A_618] : memref<128x50xi32, #tpu.memory_space<vmem>> -> memref<1x50xi32, #tpu.memory_space<vmem>>
      %dma_start3A_620 = tpu.memref_squeeze %dma_start3A_619 : memref<1x50xi32, #tpu.memory_space<vmem>> -> memref<50xi32, #tpu.memory_space<vmem>>
      %dma_start3A_621 = arith.constant 0 : i32
      %dma_start3A_622 = arith.constant 0 : i32
      %dma_start3A_623 = tpu.memref_slice %arg3[%dma_start3A_621, %dma_start3A_622] : memref<100000x128xf32, #tpu.memory_space<hbm>> -> memref<100000x128xf32, #tpu.memory_space<hbm>>
      tpu.enqueue_indirect_dma source(%dma_start3A_623 : memref<100000x128xf32, #tpu.memory_space<hbm>>) target(%dma_start3A_617 : memref<50x128xf32, #tpu.memory_space<vmem>>) offsets(%dma_start3A_620 : memref<50xi32, #tpu.memory_space<vmem>>) semaphore(%arg15 : memref<!tpu.dma_semaphore, #tpu.memory_space<semaphore_mem>>)
      %dma_wait3A_624 = arith.constant 0 : i32
      %dma_wait3A_625 = arith.constant 0 : i32
      %dma_wait3A_626 = arith.constant 0 : i32
      %dma_wait3A_627 = arith.constant 0 : i32
      %dma_wait3A_628 = tpu.memref_slice %arg8[%dma_wait3A_625, %dma_wait3A_626, %dma_wait3A_627] : memref<2x50x128xf32, #tpu.memory_space<vmem>> -> memref<1x50x128xf32, #tpu.memory_space<vmem>>
      %dma_wait3A_629 = tpu.memref_squeeze %dma_wait3A_628 : memref<1x50x128xf32, #tpu.memory_space<vmem>> -> memref<50x128xf32, #tpu.memory_space<vmem>>
      %dma_wait3A_630 = arith.constant 0 : i32
      %dma_wait3A_631 = tpu.memref_slice %arg5[%dma_wait3A_624, %dma_wait3A_630] : memref<128x50xi32, #tpu.memory_space<vmem>> -> memref<1x50xi32, #tpu.memory_space<vmem>>
      %dma_wait3A_632 = tpu.memref_squeeze %dma_wait3A_631 : memref<1x50xi32, #tpu.memory_space<vmem>> -> memref<50xi32, #tpu.memory_space<vmem>>
      %dma_wait3A_633 = arith.constant 0 : i32
      %dma_wait3A_634 = arith.constant 0 : i32
      %dma_wait3A_635 = tpu.memref_slice %arg3[%dma_wait3A_633, %dma_wait3A_634] : memref<100000x128xf32, #tpu.memory_space<hbm>> -> memref<100000x128xf32, #tpu.memory_space<hbm>>
      tpu.wait_indirect_dma semaphore(%arg16 : memref<!tpu.dma_semaphore, #tpu.memory_space<semaphore_mem>>) src(%dma_wait3A_635 : memref<100000x128xf32, #tpu.memory_space<hbm>>) dst(%dma_wait3A_629 : memref<50x128xf32, #tpu.memory_space<vmem>>)
      %dma_wait3A_636 = arith.constant 0 : i32
      %dma_wait3A_637 = arith.constant 1 : i32
      %dma_wait3A_638 = arith.constant 0 : i32
      %dma_wait3A_639 = arith.constant 0 : i32
      %dma_wait3A_640 = tpu.memref_slice %arg8[%dma_wait3A_637, %dma_wait3A_638, %dma_wait3A_639] : memref<2x50x128xf32, #tpu.memory_space<vmem>> -> memref<1x50x128xf32, #tpu.memory_space<vmem>>
      %dma_wait3A_641 = tpu.memref_squeeze %dma_wait3A_640 : memref<1x50x128xf32, #tpu.memory_space<vmem>> -> memref<50x128xf32, #tpu.memory_space<vmem>>
      %dma_wait3A_642 = arith.constant 0 : i32
      %dma_wait3A_643 = tpu.memref_slice %arg5[%dma_wait3A_636, %dma_wait3A_642] : memref<128x50xi32, #tpu.memory_space<vmem>> -> memref<1x50xi32, #tpu.memory_space<vmem>>
      %dma_wait3A_644 = tpu.memref_squeeze %dma_wait3A_643 : memref<1x50xi32, #tpu.memory_space<vmem>> -> memref<50xi32, #tpu.memory_space<vmem>>
      %dma_wait3A_645 = arith.constant 0 : i32
      %dma_wait3A_646 = arith.constant 0 : i32
      %dma_wait3A_647 = tpu.memref_slice %arg3[%dma_wait3A_645, %dma_wait3A_646] : memref<100000x128xf32, #tpu.memory_space<hbm>> -> memref<100000x128xf32, #tpu.memory_space<hbm>>
      tpu.wait_indirect_dma semaphore(%arg16 : memref<!tpu.dma_semaphore, #tpu.memory_space<semaphore_mem>>) src(%dma_wait3A_647 : memref<100000x128xf32, #tpu.memory_space<hbm>>) dst(%dma_wait3A_641 : memref<50x128xf32, #tpu.memory_space<vmem>>)
      %mul3A_648 = arith.constant 2 : i32
      %mul3A_649 = arith.muli %add3A_585, %mul3A_648 : i32
      %add3A_650 = arith.addi %mul3A_2, %mul3A_649 : i32
      %dma_start3A_651 = arith.constant 0 : i32
      %dma_start3A_652 = arith.constant 0 : i32
      %dma_start3A_653 = tpu.memref_slice %arg4[%add3A_650, %dma_start3A_651, %dma_start3A_652] : memref<4096x50x128xf32, #tpu.memory_space<hbm>> -> memref<2x50x128xf32, #tpu.memory_space<hbm>>
      %dma_start3A_654 = arith.constant 0 : i32
      %dma_start3A_655 = arith.constant 0 : i32
      %dma_start3A_656 = tpu.memref_slice %arg4[%add3A_650, %dma_start3A_654, %dma_start3A_655] : memref<4096x50x128xf32, #tpu.memory_space<hbm>> -> memref<2x50x128xf32, #tpu.memory_space<hbm>>
      tpu.enqueue_dma source(%arg8 : memref<2x50x128xf32, #tpu.memory_space<vmem>>) target(%dma_start3A_656 : memref<2x50x128xf32, #tpu.memory_space<hbm>>) target_semaphore(%arg24 : memref<!tpu.dma_semaphore, #tpu.memory_space<semaphore_mem>>)
      %mul3A_657 = arith.constant 8 : i32
      %mul3A_658 = arith.muli %scan3A_502, %mul3A_657 : i32
      %add3A_659 = arith.constant 1 : i32
      %add3A_660 = arith.addi %mul3A_658, %add3A_659 : i32
      %add3A_661 = arith.constant 2 : i32
      %add3A_662 = arith.addi %add3A_660, %add3A_661 : i32
      %dma_wait3A_663 = arith.constant 0 : i32
      %dma_wait3A_664 = arith.constant 0 : i32
      %dma_wait3A_665 = tpu.memref_slice %arg4[%mul3A_2, %dma_wait3A_663, %dma_wait3A_664] : memref<4096x50x128xf32, #tpu.memory_space<hbm>> -> memref<2x50x128xf32, #tpu.memory_space<hbm>>
      %dma_wait3A_666 = arith.constant 0 : i32
      %dma_wait3A_667 = arith.constant 0 : i32
      %dma_wait3A_668 = tpu.memref_slice %arg4[%mul3A_2, %dma_wait3A_666, %dma_wait3A_667] : memref<4096x50x128xf32, #tpu.memory_space<hbm>> -> memref<2x50x128xf32, #tpu.memory_space<hbm>>
      tpu.wait_dma2 semaphore(%arg24 : memref<!tpu.dma_semaphore, #tpu.memory_space<semaphore_mem>>) src(%arg8 : memref<2x50x128xf32, #tpu.memory_space<vmem>>) dst(%dma_wait3A_668 : memref<2x50x128xf32, #tpu.memory_space<hbm>>)
      %add3A_669 = arith.constant 7 : i32
      %add3A_670 = arith.addi %add3A_662, %add3A_669 : i32
      %mul3A_671 = arith.constant 2 : i32
      %mul3A_672 = arith.muli %add3A_670, %mul3A_671 : i32
      %add3A_673 = arith.constant 0 : i32
      %add3A_674 = arith.addi %mul3A_672, %add3A_673 : i32
      %dma_start3A_675 = arith.constant 0 : i32
      %dma_start3A_676 = arith.constant 0 : i32
      %dma_start3A_677 = arith.constant 0 : i32
      %dma_start3A_678 = tpu.memref_slice %arg8[%dma_start3A_675, %dma_start3A_676, %dma_start3A_677] : memref<2x50x128xf32, #tpu.memory_space<vmem>> -> memref<1x50x128xf32, #tpu.memory_space<vmem>>
      %dma_start3A_679 = tpu.memref_squeeze %dma_start3A_678 : memref<1x50x128xf32, #tpu.memory_space<vmem>> -> memref<50x128xf32, #tpu.memory_space<vmem>>
      %dma_start3A_680 = arith.constant 0 : i32
      %dma_start3A_681 = tpu.memref_slice %arg5[%add3A_674, %dma_start3A_680] : memref<128x50xi32, #tpu.memory_space<vmem>> -> memref<1x50xi32, #tpu.memory_space<vmem>>
      %dma_start3A_682 = tpu.memref_squeeze %dma_start3A_681 : memref<1x50xi32, #tpu.memory_space<vmem>> -> memref<50xi32, #tpu.memory_space<vmem>>
      %dma_start3A_683 = arith.constant 0 : i32
      %dma_start3A_684 = arith.constant 0 : i32
      %dma_start3A_685 = tpu.memref_slice %arg3[%dma_start3A_683, %dma_start3A_684] : memref<100000x128xf32, #tpu.memory_space<hbm>> -> memref<100000x128xf32, #tpu.memory_space<hbm>>
      tpu.enqueue_indirect_dma source(%dma_start3A_685 : memref<100000x128xf32, #tpu.memory_space<hbm>>) target(%dma_start3A_679 : memref<50x128xf32, #tpu.memory_space<vmem>>) offsets(%dma_start3A_682 : memref<50xi32, #tpu.memory_space<vmem>>) semaphore(%arg16 : memref<!tpu.dma_semaphore, #tpu.memory_space<semaphore_mem>>)
      %mul3A_686 = arith.constant 2 : i32
      %mul3A_687 = arith.muli %add3A_670, %mul3A_686 : i32
      %add3A_688 = arith.constant 1 : i32
      %add3A_689 = arith.addi %mul3A_687, %add3A_688 : i32
      %dma_start3A_690 = arith.constant 1 : i32
      %dma_start3A_691 = arith.constant 0 : i32
      %dma_start3A_692 = arith.constant 0 : i32
      %dma_start3A_693 = tpu.memref_slice %arg8[%dma_start3A_690, %dma_start3A_691, %dma_start3A_692] : memref<2x50x128xf32, #tpu.memory_space<vmem>> -> memref<1x50x128xf32, #tpu.memory_space<vmem>>
      %dma_start3A_694 = tpu.memref_squeeze %dma_start3A_693 : memref<1x50x128xf32, #tpu.memory_space<vmem>> -> memref<50x128xf32, #tpu.memory_space<vmem>>
      %dma_start3A_695 = arith.constant 0 : i32
      %dma_start3A_696 = tpu.memref_slice %arg5[%add3A_689, %dma_start3A_695] : memref<128x50xi32, #tpu.memory_space<vmem>> -> memref<1x50xi32, #tpu.memory_space<vmem>>
      %dma_start3A_697 = tpu.memref_squeeze %dma_start3A_696 : memref<1x50xi32, #tpu.memory_space<vmem>> -> memref<50xi32, #tpu.memory_space<vmem>>
      %dma_start3A_698 = arith.constant 0 : i32
      %dma_start3A_699 = arith.constant 0 : i32
      %dma_start3A_700 = tpu.memref_slice %arg3[%dma_start3A_698, %dma_start3A_699] : memref<100000x128xf32, #tpu.memory_space<hbm>> -> memref<100000x128xf32, #tpu.memory_space<hbm>>
      tpu.enqueue_indirect_dma source(%dma_start3A_700 : memref<100000x128xf32, #tpu.memory_space<hbm>>) target(%dma_start3A_694 : memref<50x128xf32, #tpu.memory_space<vmem>>) offsets(%dma_start3A_697 : memref<50xi32, #tpu.memory_space<vmem>>) semaphore(%arg16 : memref<!tpu.dma_semaphore, #tpu.memory_space<semaphore_mem>>)
      %dma_wait3A_701 = arith.constant 0 : i32
      %dma_wait3A_702 = arith.constant 0 : i32
      %dma_wait3A_703 = arith.constant 0 : i32
      %dma_wait3A_704 = arith.constant 0 : i32
      %dma_wait3A_705 = tpu.memref_slice %arg9[%dma_wait3A_702, %dma_wait3A_703, %dma_wait3A_704] : memref<2x50x128xf32, #tpu.memory_space<vmem>> -> memref<1x50x128xf32, #tpu.memory_space<vmem>>
      %dma_wait3A_706 = tpu.memref_squeeze %dma_wait3A_705 : memref<1x50x128xf32, #tpu.memory_space<vmem>> -> memref<50x128xf32, #tpu.memory_space<vmem>>
      %dma_wait3A_707 = arith.constant 0 : i32
      %dma_wait3A_708 = tpu.memref_slice %arg5[%dma_wait3A_701, %dma_wait3A_707] : memref<128x50xi32, #tpu.memory_space<vmem>> -> memref<1x50xi32, #tpu.memory_space<vmem>>
      %dma_wait3A_709 = tpu.memref_squeeze %dma_wait3A_708 : memref<1x50xi32, #tpu.memory_space<vmem>> -> memref<50xi32, #tpu.memory_space<vmem>>
      %dma_wait3A_710 = arith.constant 0 : i32
      %dma_wait3A_711 = arith.constant 0 : i32
      %dma_wait3A_712 = tpu.memref_slice %arg3[%dma_wait3A_710, %dma_wait3A_711] : memref<100000x128xf32, #tpu.memory_space<hbm>> -> memref<100000x128xf32, #tpu.memory_space<hbm>>
      tpu.wait_indirect_dma semaphore(%arg17 : memref<!tpu.dma_semaphore, #tpu.memory_space<semaphore_mem>>) src(%dma_wait3A_712 : memref<100000x128xf32, #tpu.memory_space<hbm>>) dst(%dma_wait3A_706 : memref<50x128xf32, #tpu.memory_space<vmem>>)
      %dma_wait3A_713 = arith.constant 0 : i32
      %dma_wait3A_714 = arith.constant 1 : i32
      %dma_wait3A_715 = arith.constant 0 : i32
      %dma_wait3A_716 = arith.constant 0 : i32
      %dma_wait3A_717 = tpu.memref_slice %arg9[%dma_wait3A_714, %dma_wait3A_715, %dma_wait3A_716] : memref<2x50x128xf32, #tpu.memory_space<vmem>> -> memref<1x50x128xf32, #tpu.memory_space<vmem>>
      %dma_wait3A_718 = tpu.memref_squeeze %dma_wait3A_717 : memref<1x50x128xf32, #tpu.memory_space<vmem>> -> memref<50x128xf32, #tpu.memory_space<vmem>>
      %dma_wait3A_719 = arith.constant 0 : i32
      %dma_wait3A_720 = tpu.memref_slice %arg5[%dma_wait3A_713, %dma_wait3A_719] : memref<128x50xi32, #tpu.memory_space<vmem>> -> memref<1x50xi32, #tpu.memory_space<vmem>>
      %dma_wait3A_721 = tpu.memref_squeeze %dma_wait3A_720 : memref<1x50xi32, #tpu.memory_space<vmem>> -> memref<50xi32, #tpu.memory_space<vmem>>
      %dma_wait3A_722 = arith.constant 0 : i32
      %dma_wait3A_723 = arith.constant 0 : i32
      %dma_wait3A_724 = tpu.memref_slice %arg3[%dma_wait3A_722, %dma_wait3A_723] : memref<100000x128xf32, #tpu.memory_space<hbm>> -> memref<100000x128xf32, #tpu.memory_space<hbm>>
      tpu.wait_indirect_dma semaphore(%arg17 : memref<!tpu.dma_semaphore, #tpu.memory_space<semaphore_mem>>) src(%dma_wait3A_724 : memref<100000x128xf32, #tpu.memory_space<hbm>>) dst(%dma_wait3A_718 : memref<50x128xf32, #tpu.memory_space<vmem>>)
      %mul3A_725 = arith.constant 2 : i32
      %mul3A_726 = arith.muli %add3A_662, %mul3A_725 : i32
      %add3A_727 = arith.addi %mul3A_2, %mul3A_726 : i32
      %dma_start3A_728 = arith.constant 0 : i32
      %dma_start3A_729 = arith.constant 0 : i32
      %dma_start3A_730 = tpu.memref_slice %arg4[%add3A_727, %dma_start3A_728, %dma_start3A_729] : memref<4096x50x128xf32, #tpu.memory_space<hbm>> -> memref<2x50x128xf32, #tpu.memory_space<hbm>>
      %dma_start3A_731 = arith.constant 0 : i32
      %dma_start3A_732 = arith.constant 0 : i32
      %dma_start3A_733 = tpu.memref_slice %arg4[%add3A_727, %dma_start3A_731, %dma_start3A_732] : memref<4096x50x128xf32, #tpu.memory_space<hbm>> -> memref<2x50x128xf32, #tpu.memory_space<hbm>>
      tpu.enqueue_dma source(%arg9 : memref<2x50x128xf32, #tpu.memory_space<vmem>>) target(%dma_start3A_733 : memref<2x50x128xf32, #tpu.memory_space<hbm>>) target_semaphore(%arg25 : memref<!tpu.dma_semaphore, #tpu.memory_space<semaphore_mem>>)
      %mul3A_734 = arith.constant 8 : i32
      %mul3A_735 = arith.muli %scan3A_502, %mul3A_734 : i32
      %add3A_736 = arith.constant 1 : i32
      %add3A_737 = arith.addi %mul3A_735, %add3A_736 : i32
      %add3A_738 = arith.constant 3 : i32
      %add3A_739 = arith.addi %add3A_737, %add3A_738 : i32
      %dma_wait3A_740 = arith.constant 0 : i32
      %dma_wait3A_741 = arith.constant 0 : i32
      %dma_wait3A_742 = tpu.memref_slice %arg4[%mul3A_2, %dma_wait3A_740, %dma_wait3A_741] : memref<4096x50x128xf32, #tpu.memory_space<hbm>> -> memref<2x50x128xf32, #tpu.memory_space<hbm>>
      %dma_wait3A_743 = arith.constant 0 : i32
      %dma_wait3A_744 = arith.constant 0 : i32
      %dma_wait3A_745 = tpu.memref_slice %arg4[%mul3A_2, %dma_wait3A_743, %dma_wait3A_744] : memref<4096x50x128xf32, #tpu.memory_space<hbm>> -> memref<2x50x128xf32, #tpu.memory_space<hbm>>
      tpu.wait_dma2 semaphore(%arg25 : memref<!tpu.dma_semaphore, #tpu.memory_space<semaphore_mem>>) src(%arg9 : memref<2x50x128xf32, #tpu.memory_space<vmem>>) dst(%dma_wait3A_745 : memref<2x50x128xf32, #tpu.memory_space<hbm>>)
      %add3A_746 = arith.constant 7 : i32
      %add3A_747 = arith.addi %add3A_739, %add3A_746 : i32
      %mul3A_748 = arith.constant 2 : i32
      %mul3A_749 = arith.muli %add3A_747, %mul3A_748 : i32
      %add3A_750 = arith.constant 0 : i32
      %add3A_751 = arith.addi %mul3A_749, %add3A_750 : i32
      %dma_start3A_752 = arith.constant 0 : i32
      %dma_start3A_753 = arith.constant 0 : i32
      %dma_start3A_754 = arith.constant 0 : i32
      %dma_start3A_755 = tpu.memref_slice %arg9[%dma_start3A_752, %dma_start3A_753, %dma_start3A_754] : memref<2x50x128xf32, #tpu.memory_space<vmem>> -> memref<1x50x128xf32, #tpu.memory_space<vmem>>
      %dma_start3A_756 = tpu.memref_squeeze %dma_start3A_755 : memref<1x50x128xf32, #tpu.memory_space<vmem>> -> memref<50x128xf32, #tpu.memory_space<vmem>>
      %dma_start3A_757 = arith.constant 0 : i32
      %dma_start3A_758 = tpu.memref_slice %arg5[%add3A_751, %dma_start3A_757] : memref<128x50xi32, #tpu.memory_space<vmem>> -> memref<1x50xi32, #tpu.memory_space<vmem>>
      %dma_start3A_759 = tpu.memref_squeeze %dma_start3A_758 : memref<1x50xi32, #tpu.memory_space<vmem>> -> memref<50xi32, #tpu.memory_space<vmem>>
      %dma_start3A_760 = arith.constant 0 : i32
      %dma_start3A_761 = arith.constant 0 : i32
      %dma_start3A_762 = tpu.memref_slice %arg3[%dma_start3A_760, %dma_start3A_761] : memref<100000x128xf32, #tpu.memory_space<hbm>> -> memref<100000x128xf32, #tpu.memory_space<hbm>>
      tpu.enqueue_indirect_dma source(%dma_start3A_762 : memref<100000x128xf32, #tpu.memory_space<hbm>>) target(%dma_start3A_756 : memref<50x128xf32, #tpu.memory_space<vmem>>) offsets(%dma_start3A_759 : memref<50xi32, #tpu.memory_space<vmem>>) semaphore(%arg17 : memref<!tpu.dma_semaphore, #tpu.memory_space<semaphore_mem>>)
      %mul3A_763 = arith.constant 2 : i32
      %mul3A_764 = arith.muli %add3A_747, %mul3A_763 : i32
      %add3A_765 = arith.constant 1 : i32
      %add3A_766 = arith.addi %mul3A_764, %add3A_765 : i32
      %dma_start3A_767 = arith.constant 1 : i32
      %dma_start3A_768 = arith.constant 0 : i32
      %dma_start3A_769 = arith.constant 0 : i32
      %dma_start3A_770 = tpu.memref_slice %arg9[%dma_start3A_767, %dma_start3A_768, %dma_start3A_769] : memref<2x50x128xf32, #tpu.memory_space<vmem>> -> memref<1x50x128xf32, #tpu.memory_space<vmem>>
      %dma_start3A_771 = tpu.memref_squeeze %dma_start3A_770 : memref<1x50x128xf32, #tpu.memory_space<vmem>> -> memref<50x128xf32, #tpu.memory_space<vmem>>
      %dma_start3A_772 = arith.constant 0 : i32
      %dma_start3A_773 = tpu.memref_slice %arg5[%add3A_766, %dma_start3A_772] : memref<128x50xi32, #tpu.memory_space<vmem>> -> memref<1x50xi32, #tpu.memory_space<vmem>>
      %dma_start3A_774 = tpu.memref_squeeze %dma_start3A_773 : memref<1x50xi32, #tpu.memory_space<vmem>> -> memref<50xi32, #tpu.memory_space<vmem>>
      %dma_start3A_775 = arith.constant 0 : i32
      %dma_start3A_776 = arith.constant 0 : i32
      %dma_start3A_777 = tpu.memref_slice %arg3[%dma_start3A_775, %dma_start3A_776] : memref<100000x128xf32, #tpu.memory_space<hbm>> -> memref<100000x128xf32, #tpu.memory_space<hbm>>
      tpu.enqueue_indirect_dma source(%dma_start3A_777 : memref<100000x128xf32, #tpu.memory_space<hbm>>) target(%dma_start3A_771 : memref<50x128xf32, #tpu.memory_space<vmem>>) offsets(%dma_start3A_774 : memref<50xi32, #tpu.memory_space<vmem>>) semaphore(%arg17 : memref<!tpu.dma_semaphore, #tpu.memory_space<semaphore_mem>>)
      %dma_wait3A_778 = arith.constant 0 : i32
      %dma_wait3A_779 = arith.constant 0 : i32
      %dma_wait3A_780 = arith.constant 0 : i32
      %dma_wait3A_781 = arith.constant 0 : i32
      %dma_wait3A_782 = tpu.memref_slice %arg10[%dma_wait3A_779, %dma_wait3A_780, %dma_wait3A_781] : memref<2x50x128xf32, #tpu.memory_space<vmem>> -> memref<1x50x128xf32, #tpu.memory_space<vmem>>
      %dma_wait3A_783 = tpu.memref_squeeze %dma_wait3A_782 : memref<1x50x128xf32, #tpu.memory_space<vmem>> -> memref<50x128xf32, #tpu.memory_space<vmem>>
      %dma_wait3A_784 = arith.constant 0 : i32
      %dma_wait3A_785 = tpu.memref_slice %arg5[%dma_wait3A_778, %dma_wait3A_784] : memref<128x50xi32, #tpu.memory_space<vmem>> -> memref<1x50xi32, #tpu.memory_space<vmem>>
      %dma_wait3A_786 = tpu.memref_squeeze %dma_wait3A_785 : memref<1x50xi32, #tpu.memory_space<vmem>> -> memref<50xi32, #tpu.memory_space<vmem>>
      %dma_wait3A_787 = arith.constant 0 : i32
      %dma_wait3A_788 = arith.constant 0 : i32
      %dma_wait3A_789 = tpu.memref_slice %arg3[%dma_wait3A_787, %dma_wait3A_788] : memref<100000x128xf32, #tpu.memory_space<hbm>> -> memref<100000x128xf32, #tpu.memory_space<hbm>>
      tpu.wait_indirect_dma semaphore(%arg18 : memref<!tpu.dma_semaphore, #tpu.memory_space<semaphore_mem>>) src(%dma_wait3A_789 : memref<100000x128xf32, #tpu.memory_space<hbm>>) dst(%dma_wait3A_783 : memref<50x128xf32, #tpu.memory_space<vmem>>)
      %dma_wait3A_790 = arith.constant 0 : i32
      %dma_wait3A_791 = arith.constant 1 : i32
      %dma_wait3A_792 = arith.constant 0 : i32
      %dma_wait3A_793 = arith.constant 0 : i32
      %dma_wait3A_794 = tpu.memref_slice %arg10[%dma_wait3A_791, %dma_wait3A_792, %dma_wait3A_793] : memref<2x50x128xf32, #tpu.memory_space<vmem>> -> memref<1x50x128xf32, #tpu.memory_space<vmem>>
      %dma_wait3A_795 = tpu.memref_squeeze %dma_wait3A_794 : memref<1x50x128xf32, #tpu.memory_space<vmem>> -> memref<50x128xf32, #tpu.memory_space<vmem>>
      %dma_wait3A_796 = arith.constant 0 : i32
      %dma_wait3A_797 = tpu.memref_slice %arg5[%dma_wait3A_790, %dma_wait3A_796] : memref<128x50xi32, #tpu.memory_space<vmem>> -> memref<1x50xi32, #tpu.memory_space<vmem>>
      %dma_wait3A_798 = tpu.memref_squeeze %dma_wait3A_797 : memref<1x50xi32, #tpu.memory_space<vmem>> -> memref<50xi32, #tpu.memory_space<vmem>>
      %dma_wait3A_799 = arith.constant 0 : i32
      %dma_wait3A_800 = arith.constant 0 : i32
      %dma_wait3A_801 = tpu.memref_slice %arg3[%dma_wait3A_799, %dma_wait3A_800] : memref<100000x128xf32, #tpu.memory_space<hbm>> -> memref<100000x128xf32, #tpu.memory_space<hbm>>
      tpu.wait_indirect_dma semaphore(%arg18 : memref<!tpu.dma_semaphore, #tpu.memory_space<semaphore_mem>>) src(%dma_wait3A_801 : memref<100000x128xf32, #tpu.memory_space<hbm>>) dst(%dma_wait3A_795 : memref<50x128xf32, #tpu.memory_space<vmem>>)
      %mul3A_802 = arith.constant 2 : i32
      %mul3A_803 = arith.muli %add3A_739, %mul3A_802 : i32
      %add3A_804 = arith.addi %mul3A_2, %mul3A_803 : i32
      %dma_start3A_805 = arith.constant 0 : i32
      %dma_start3A_806 = arith.constant 0 : i32
      %dma_start3A_807 = tpu.memref_slice %arg4[%add3A_804, %dma_start3A_805, %dma_start3A_806] : memref<4096x50x128xf32, #tpu.memory_space<hbm>> -> memref<2x50x128xf32, #tpu.memory_space<hbm>>
      %dma_start3A_808 = arith.constant 0 : i32
      %dma_start3A_809 = arith.constant 0 : i32
      %dma_start3A_810 = tpu.memref_slice %arg4[%add3A_804, %dma_start3A_808, %dma_start3A_809] : memref<4096x50x128xf32, #tpu.memory_space<hbm>> -> memref<2x50x128xf32, #tpu.memory_space<hbm>>
      tpu.enqueue_dma source(%arg10 : memref<2x50x128xf32, #tpu.memory_space<vmem>>) target(%dma_start3A_810 : memref<2x50x128xf32, #tpu.memory_space<hbm>>) target_semaphore(%arg26 : memref<!tpu.dma_semaphore, #tpu.memory_space<semaphore_mem>>)
      %mul3A_811 = arith.constant 8 : i32
      %mul3A_812 = arith.muli %scan3A_502, %mul3A_811 : i32
      %add3A_813 = arith.constant 1 : i32
      %add3A_814 = arith.addi %mul3A_812, %add3A_813 : i32
      %add3A_815 = arith.constant 4 : i32
      %add3A_816 = arith.addi %add3A_814, %add3A_815 : i32
      %dma_wait3A_817 = arith.constant 0 : i32
      %dma_wait3A_818 = arith.constant 0 : i32
      %dma_wait3A_819 = tpu.memref_slice %arg4[%mul3A_2, %dma_wait3A_817, %dma_wait3A_818] : memref<4096x50x128xf32, #tpu.memory_space<hbm>> -> memref<2x50x128xf32, #tpu.memory_space<hbm>>
      %dma_wait3A_820 = arith.constant 0 : i32
      %dma_wait3A_821 = arith.constant 0 : i32
      %dma_wait3A_822 = tpu.memref_slice %arg4[%mul3A_2, %dma_wait3A_820, %dma_wait3A_821] : memref<4096x50x128xf32, #tpu.memory_space<hbm>> -> memref<2x50x128xf32, #tpu.memory_space<hbm>>
      tpu.wait_dma2 semaphore(%arg26 : memref<!tpu.dma_semaphore, #tpu.memory_space<semaphore_mem>>) src(%arg10 : memref<2x50x128xf32, #tpu.memory_space<vmem>>) dst(%dma_wait3A_822 : memref<2x50x128xf32, #tpu.memory_space<hbm>>)
      %add3A_823 = arith.constant 7 : i32
      %add3A_824 = arith.addi %add3A_816, %add3A_823 : i32
      %mul3A_825 = arith.constant 2 : i32
      %mul3A_826 = arith.muli %add3A_824, %mul3A_825 : i32
      %add3A_827 = arith.constant 0 : i32
      %add3A_828 = arith.addi %mul3A_826, %add3A_827 : i32
      %dma_start3A_829 = arith.constant 0 : i32
      %dma_start3A_830 = arith.constant 0 : i32
      %dma_start3A_831 = arith.constant 0 : i32
      %dma_start3A_832 = tpu.memref_slice %arg10[%dma_start3A_829, %dma_start3A_830, %dma_start3A_831] : memref<2x50x128xf32, #tpu.memory_space<vmem>> -> memref<1x50x128xf32, #tpu.memory_space<vmem>>
      %dma_start3A_833 = tpu.memref_squeeze %dma_start3A_832 : memref<1x50x128xf32, #tpu.memory_space<vmem>> -> memref<50x128xf32, #tpu.memory_space<vmem>>
      %dma_start3A_834 = arith.constant 0 : i32
      %dma_start3A_835 = tpu.memref_slice %arg5[%add3A_828, %dma_start3A_834] : memref<128x50xi32, #tpu.memory_space<vmem>> -> memref<1x50xi32, #tpu.memory_space<vmem>>
      %dma_start3A_836 = tpu.memref_squeeze %dma_start3A_835 : memref<1x50xi32, #tpu.memory_space<vmem>> -> memref<50xi32, #tpu.memory_space<vmem>>
      %dma_start3A_837 = arith.constant 0 : i32
      %dma_start3A_838 = arith.constant 0 : i32
      %dma_start3A_839 = tpu.memref_slice %arg3[%dma_start3A_837, %dma_start3A_838] : memref<100000x128xf32, #tpu.memory_space<hbm>> -> memref<100000x128xf32, #tpu.memory_space<hbm>>
      tpu.enqueue_indirect_dma source(%dma_start3A_839 : memref<100000x128xf32, #tpu.memory_space<hbm>>) target(%dma_start3A_833 : memref<50x128xf32, #tpu.memory_space<vmem>>) offsets(%dma_start3A_836 : memref<50xi32, #tpu.memory_space<vmem>>) semaphore(%arg18 : memref<!tpu.dma_semaphore, #tpu.memory_space<semaphore_mem>>)
      %mul3A_840 = arith.constant 2 : i32
      %mul3A_841 = arith.muli %add3A_824, %mul3A_840 : i32
      %add3A_842 = arith.constant 1 : i32
      %add3A_843 = arith.addi %mul3A_841, %add3A_842 : i32
      %dma_start3A_844 = arith.constant 1 : i32
      %dma_start3A_845 = arith.constant 0 : i32
      %dma_start3A_846 = arith.constant 0 : i32
      %dma_start3A_847 = tpu.memref_slice %arg10[%dma_start3A_844, %dma_start3A_845, %dma_start3A_846] : memref<2x50x128xf32, #tpu.memory_space<vmem>> -> memref<1x50x128xf32, #tpu.memory_space<vmem>>
      %dma_start3A_848 = tpu.memref_squeeze %dma_start3A_847 : memref<1x50x128xf32, #tpu.memory_space<vmem>> -> memref<50x128xf32, #tpu.memory_space<vmem>>
      %dma_start3A_849 = arith.constant 0 : i32
      %dma_start3A_850 = tpu.memref_slice %arg5[%add3A_843, %dma_start3A_849] : memref<128x50xi32, #tpu.memory_space<vmem>> -> memref<1x50xi32, #tpu.memory_space<vmem>>
      %dma_start3A_851 = tpu.memref_squeeze %dma_start3A_850 : memref<1x50xi32, #tpu.memory_space<vmem>> -> memref<50xi32, #tpu.memory_space<vmem>>
      %dma_start3A_852 = arith.constant 0 : i32
      %dma_start3A_853 = arith.constant 0 : i32
      %dma_start3A_854 = tpu.memref_slice %arg3[%dma_start3A_852, %dma_start3A_853] : memref<100000x128xf32, #tpu.memory_space<hbm>> -> memref<100000x128xf32, #tpu.memory_space<hbm>>
      tpu.enqueue_indirect_dma source(%dma_start3A_854 : memref<100000x128xf32, #tpu.memory_space<hbm>>) target(%dma_start3A_848 : memref<50x128xf32, #tpu.memory_space<vmem>>) offsets(%dma_start3A_851 : memref<50xi32, #tpu.memory_space<vmem>>) semaphore(%arg18 : memref<!tpu.dma_semaphore, #tpu.memory_space<semaphore_mem>>)
      %dma_wait3A_855 = arith.constant 0 : i32
      %dma_wait3A_856 = arith.constant 0 : i32
      %dma_wait3A_857 = arith.constant 0 : i32
      %dma_wait3A_858 = arith.constant 0 : i32
      %dma_wait3A_859 = tpu.memref_slice %arg11[%dma_wait3A_856, %dma_wait3A_857, %dma_wait3A_858] : memref<2x50x128xf32, #tpu.memory_space<vmem>> -> memref<1x50x128xf32, #tpu.memory_space<vmem>>
      %dma_wait3A_860 = tpu.memref_squeeze %dma_wait3A_859 : memref<1x50x128xf32, #tpu.memory_space<vmem>> -> memref<50x128xf32, #tpu.memory_space<vmem>>
      %dma_wait3A_861 = arith.constant 0 : i32
      %dma_wait3A_862 = tpu.memref_slice %arg5[%dma_wait3A_855, %dma_wait3A_861] : memref<128x50xi32, #tpu.memory_space<vmem>> -> memref<1x50xi32, #tpu.memory_space<vmem>>
      %dma_wait3A_863 = tpu.memref_squeeze %dma_wait3A_862 : memref<1x50xi32, #tpu.memory_space<vmem>> -> memref<50xi32, #tpu.memory_space<vmem>>
      %dma_wait3A_864 = arith.constant 0 : i32
      %dma_wait3A_865 = arith.constant 0 : i32
      %dma_wait3A_866 = tpu.memref_slice %arg3[%dma_wait3A_864, %dma_wait3A_865] : memref<100000x128xf32, #tpu.memory_space<hbm>> -> memref<100000x128xf32, #tpu.memory_space<hbm>>
      tpu.wait_indirect_dma semaphore(%arg19 : memref<!tpu.dma_semaphore, #tpu.memory_space<semaphore_mem>>) src(%dma_wait3A_866 : memref<100000x128xf32, #tpu.memory_space<hbm>>) dst(%dma_wait3A_860 : memref<50x128xf32, #tpu.memory_space<vmem>>)
      %dma_wait3A_867 = arith.constant 0 : i32
      %dma_wait3A_868 = arith.constant 1 : i32
      %dma_wait3A_869 = arith.constant 0 : i32
      %dma_wait3A_870 = arith.constant 0 : i32
      %dma_wait3A_871 = tpu.memref_slice %arg11[%dma_wait3A_868, %dma_wait3A_869, %dma_wait3A_870] : memref<2x50x128xf32, #tpu.memory_space<vmem>> -> memref<1x50x128xf32, #tpu.memory_space<vmem>>
      %dma_wait3A_872 = tpu.memref_squeeze %dma_wait3A_871 : memref<1x50x128xf32, #tpu.memory_space<vmem>> -> memref<50x128xf32, #tpu.memory_space<vmem>>
      %dma_wait3A_873 = arith.constant 0 : i32
      %dma_wait3A_874 = tpu.memref_slice %arg5[%dma_wait3A_867, %dma_wait3A_873] : memref<128x50xi32, #tpu.memory_space<vmem>> -> memref<1x50xi32, #tpu.memory_space<vmem>>
      %dma_wait3A_875 = tpu.memref_squeeze %dma_wait3A_874 : memref<1x50xi32, #tpu.memory_space<vmem>> -> memref<50xi32, #tpu.memory_space<vmem>>
      %dma_wait3A_876 = arith.constant 0 : i32
      %dma_wait3A_877 = arith.constant 0 : i32
      %dma_wait3A_878 = tpu.memref_slice %arg3[%dma_wait3A_876, %dma_wait3A_877] : memref<100000x128xf32, #tpu.memory_space<hbm>> -> memref<100000x128xf32, #tpu.memory_space<hbm>>
      tpu.wait_indirect_dma semaphore(%arg19 : memref<!tpu.dma_semaphore, #tpu.memory_space<semaphore_mem>>) src(%dma_wait3A_878 : memref<100000x128xf32, #tpu.memory_space<hbm>>) dst(%dma_wait3A_872 : memref<50x128xf32, #tpu.memory_space<vmem>>)
      %mul3A_879 = arith.constant 2 : i32
      %mul3A_880 = arith.muli %add3A_816, %mul3A_879 : i32
      %add3A_881 = arith.addi %mul3A_2, %mul3A_880 : i32
      %dma_start3A_882 = arith.constant 0 : i32
      %dma_start3A_883 = arith.constant 0 : i32
      %dma_start3A_884 = tpu.memref_slice %arg4[%add3A_881, %dma_start3A_882, %dma_start3A_883] : memref<4096x50x128xf32, #tpu.memory_space<hbm>> -> memref<2x50x128xf32, #tpu.memory_space<hbm>>
      %dma_start3A_885 = arith.constant 0 : i32
      %dma_start3A_886 = arith.constant 0 : i32
      %dma_start3A_887 = tpu.memref_slice %arg4[%add3A_881, %dma_start3A_885, %dma_start3A_886] : memref<4096x50x128xf32, #tpu.memory_space<hbm>> -> memref<2x50x128xf32, #tpu.memory_space<hbm>>
      tpu.enqueue_dma source(%arg11 : memref<2x50x128xf32, #tpu.memory_space<vmem>>) target(%dma_start3A_887 : memref<2x50x128xf32, #tpu.memory_space<hbm>>) target_semaphore(%arg27 : memref<!tpu.dma_semaphore, #tpu.memory_space<semaphore_mem>>)
      %mul3A_888 = arith.constant 8 : i32
      %mul3A_889 = arith.muli %scan3A_502, %mul3A_888 : i32
      %add3A_890 = arith.constant 1 : i32
      %add3A_891 = arith.addi %mul3A_889, %add3A_890 : i32
      %add3A_892 = arith.constant 5 : i32
      %add3A_893 = arith.addi %add3A_891, %add3A_892 : i32
      %dma_wait3A_894 = arith.constant 0 : i32
      %dma_wait3A_895 = arith.constant 0 : i32
      %dma_wait3A_896 = tpu.memref_slice %arg4[%mul3A_2, %dma_wait3A_894, %dma_wait3A_895] : memref<4096x50x128xf32, #tpu.memory_space<hbm>> -> memref<2x50x128xf32, #tpu.memory_space<hbm>>
      %dma_wait3A_897 = arith.constant 0 : i32
      %dma_wait3A_898 = arith.constant 0 : i32
      %dma_wait3A_899 = tpu.memref_slice %arg4[%mul3A_2, %dma_wait3A_897, %dma_wait3A_898] : memref<4096x50x128xf32, #tpu.memory_space<hbm>> -> memref<2x50x128xf32, #tpu.memory_space<hbm>>
      tpu.wait_dma2 semaphore(%arg27 : memref<!tpu.dma_semaphore, #tpu.memory_space<semaphore_mem>>) src(%arg11 : memref<2x50x128xf32, #tpu.memory_space<vmem>>) dst(%dma_wait3A_899 : memref<2x50x128xf32, #tpu.memory_space<hbm>>)
      %add3A_900 = arith.constant 7 : i32
      %add3A_901 = arith.addi %add3A_893, %add3A_900 : i32
      %mul3A_902 = arith.constant 2 : i32
      %mul3A_903 = arith.muli %add3A_901, %mul3A_902 : i32
      %add3A_904 = arith.constant 0 : i32
      %add3A_905 = arith.addi %mul3A_903, %add3A_904 : i32
      %dma_start3A_906 = arith.constant 0 : i32
      %dma_start3A_907 = arith.constant 0 : i32
      %dma_start3A_908 = arith.constant 0 : i32
      %dma_start3A_909 = tpu.memref_slice %arg11[%dma_start3A_906, %dma_start3A_907, %dma_start3A_908] : memref<2x50x128xf32, #tpu.memory_space<vmem>> -> memref<1x50x128xf32, #tpu.memory_space<vmem>>
      %dma_start3A_910 = tpu.memref_squeeze %dma_start3A_909 : memref<1x50x128xf32, #tpu.memory_space<vmem>> -> memref<50x128xf32, #tpu.memory_space<vmem>>
      %dma_start3A_911 = arith.constant 0 : i32
      %dma_start3A_912 = tpu.memref_slice %arg5[%add3A_905, %dma_start3A_911] : memref<128x50xi32, #tpu.memory_space<vmem>> -> memref<1x50xi32, #tpu.memory_space<vmem>>
      %dma_start3A_913 = tpu.memref_squeeze %dma_start3A_912 : memref<1x50xi32, #tpu.memory_space<vmem>> -> memref<50xi32, #tpu.memory_space<vmem>>
      %dma_start3A_914 = arith.constant 0 : i32
      %dma_start3A_915 = arith.constant 0 : i32
      %dma_start3A_916 = tpu.memref_slice %arg3[%dma_start3A_914, %dma_start3A_915] : memref<100000x128xf32, #tpu.memory_space<hbm>> -> memref<100000x128xf32, #tpu.memory_space<hbm>>
      tpu.enqueue_indirect_dma source(%dma_start3A_916 : memref<100000x128xf32, #tpu.memory_space<hbm>>) target(%dma_start3A_910 : memref<50x128xf32, #tpu.memory_space<vmem>>) offsets(%dma_start3A_913 : memref<50xi32, #tpu.memory_space<vmem>>) semaphore(%arg19 : memref<!tpu.dma_semaphore, #tpu.memory_space<semaphore_mem>>)
      %mul3A_917 = arith.constant 2 : i32
      %mul3A_918 = arith.muli %add3A_901, %mul3A_917 : i32
      %add3A_919 = arith.constant 1 : i32
      %add3A_920 = arith.addi %mul3A_918, %add3A_919 : i32
      %dma_start3A_921 = arith.constant 1 : i32
      %dma_start3A_922 = arith.constant 0 : i32
      %dma_start3A_923 = arith.constant 0 : i32
      %dma_start3A_924 = tpu.memref_slice %arg11[%dma_start3A_921, %dma_start3A_922, %dma_start3A_923] : memref<2x50x128xf32, #tpu.memory_space<vmem>> -> memref<1x50x128xf32, #tpu.memory_space<vmem>>
      %dma_start3A_925 = tpu.memref_squeeze %dma_start3A_924 : memref<1x50x128xf32, #tpu.memory_space<vmem>> -> memref<50x128xf32, #tpu.memory_space<vmem>>
      %dma_start3A_926 = arith.constant 0 : i32
      %dma_start3A_927 = tpu.memref_slice %arg5[%add3A_920, %dma_start3A_926] : memref<128x50xi32, #tpu.memory_space<vmem>> -> memref<1x50xi32, #tpu.memory_space<vmem>>
      %dma_start3A_928 = tpu.memref_squeeze %dma_start3A_927 : memref<1x50xi32, #tpu.memory_space<vmem>> -> memref<50xi32, #tpu.memory_space<vmem>>
      %dma_start3A_929 = arith.constant 0 : i32
      %dma_start3A_930 = arith.constant 0 : i32
      %dma_start3A_931 = tpu.memref_slice %arg3[%dma_start3A_929, %dma_start3A_930] : memref<100000x128xf32, #tpu.memory_space<hbm>> -> memref<100000x128xf32, #tpu.memory_space<hbm>>
      tpu.enqueue_indirect_dma source(%dma_start3A_931 : memref<100000x128xf32, #tpu.memory_space<hbm>>) target(%dma_start3A_925 : memref<50x128xf32, #tpu.memory_space<vmem>>) offsets(%dma_start3A_928 : memref<50xi32, #tpu.memory_space<vmem>>) semaphore(%arg19 : memref<!tpu.dma_semaphore, #tpu.memory_space<semaphore_mem>>)
      %dma_wait3A_932 = arith.constant 0 : i32
      %dma_wait3A_933 = arith.constant 0 : i32
      %dma_wait3A_934 = arith.constant 0 : i32
      %dma_wait3A_935 = arith.constant 0 : i32
      %dma_wait3A_936 = tpu.memref_slice %arg12[%dma_wait3A_933, %dma_wait3A_934, %dma_wait3A_935] : memref<2x50x128xf32, #tpu.memory_space<vmem>> -> memref<1x50x128xf32, #tpu.memory_space<vmem>>
      %dma_wait3A_937 = tpu.memref_squeeze %dma_wait3A_936 : memref<1x50x128xf32, #tpu.memory_space<vmem>> -> memref<50x128xf32, #tpu.memory_space<vmem>>
      %dma_wait3A_938 = arith.constant 0 : i32
      %dma_wait3A_939 = tpu.memref_slice %arg5[%dma_wait3A_932, %dma_wait3A_938] : memref<128x50xi32, #tpu.memory_space<vmem>> -> memref<1x50xi32, #tpu.memory_space<vmem>>
      %dma_wait3A_940 = tpu.memref_squeeze %dma_wait3A_939 : memref<1x50xi32, #tpu.memory_space<vmem>> -> memref<50xi32, #tpu.memory_space<vmem>>
      %dma_wait3A_941 = arith.constant 0 : i32
      %dma_wait3A_942 = arith.constant 0 : i32
      %dma_wait3A_943 = tpu.memref_slice %arg3[%dma_wait3A_941, %dma_wait3A_942] : memref<100000x128xf32, #tpu.memory_space<hbm>> -> memref<100000x128xf32, #tpu.memory_space<hbm>>
      tpu.wait_indirect_dma semaphore(%arg20 : memref<!tpu.dma_semaphore, #tpu.memory_space<semaphore_mem>>) src(%dma_wait3A_943 : memref<100000x128xf32, #tpu.memory_space<hbm>>) dst(%dma_wait3A_937 : memref<50x128xf32, #tpu.memory_space<vmem>>)
      %dma_wait3A_944 = arith.constant 0 : i32
      %dma_wait3A_945 = arith.constant 1 : i32
      %dma_wait3A_946 = arith.constant 0 : i32
      %dma_wait3A_947 = arith.constant 0 : i32
      %dma_wait3A_948 = tpu.memref_slice %arg12[%dma_wait3A_945, %dma_wait3A_946, %dma_wait3A_947] : memref<2x50x128xf32, #tpu.memory_space<vmem>> -> memref<1x50x128xf32, #tpu.memory_space<vmem>>
      %dma_wait3A_949 = tpu.memref_squeeze %dma_wait3A_948 : memref<1x50x128xf32, #tpu.memory_space<vmem>> -> memref<50x128xf32, #tpu.memory_space<vmem>>
      %dma_wait3A_950 = arith.constant 0 : i32
      %dma_wait3A_951 = tpu.memref_slice %arg5[%dma_wait3A_944, %dma_wait3A_950] : memref<128x50xi32, #tpu.memory_space<vmem>> -> memref<1x50xi32, #tpu.memory_space<vmem>>
      %dma_wait3A_952 = tpu.memref_squeeze %dma_wait3A_951 : memref<1x50xi32, #tpu.memory_space<vmem>> -> memref<50xi32, #tpu.memory_space<vmem>>
      %dma_wait3A_953 = arith.constant 0 : i32
      %dma_wait3A_954 = arith.constant 0 : i32
      %dma_wait3A_955 = tpu.memref_slice %arg3[%dma_wait3A_953, %dma_wait3A_954] : memref<100000x128xf32, #tpu.memory_space<hbm>> -> memref<100000x128xf32, #tpu.memory_space<hbm>>
      tpu.wait_indirect_dma semaphore(%arg20 : memref<!tpu.dma_semaphore, #tpu.memory_space<semaphore_mem>>) src(%dma_wait3A_955 : memref<100000x128xf32, #tpu.memory_space<hbm>>) dst(%dma_wait3A_949 : memref<50x128xf32, #tpu.memory_space<vmem>>)
      %mul3A_956 = arith.constant 2 : i32
      %mul3A_957 = arith.muli %add3A_893, %mul3A_956 : i32
      %add3A_958 = arith.addi %mul3A_2, %mul3A_957 : i32
      %dma_start3A_959 = arith.constant 0 : i32
      %dma_start3A_960 = arith.constant 0 : i32
      %dma_start3A_961 = tpu.memref_slice %arg4[%add3A_958, %dma_start3A_959, %dma_start3A_960] : memref<4096x50x128xf32, #tpu.memory_space<hbm>> -> memref<2x50x128xf32, #tpu.memory_space<hbm>>
      %dma_start3A_962 = arith.constant 0 : i32
      %dma_start3A_963 = arith.constant 0 : i32
      %dma_start3A_964 = tpu.memref_slice %arg4[%add3A_958, %dma_start3A_962, %dma_start3A_963] : memref<4096x50x128xf32, #tpu.memory_space<hbm>> -> memref<2x50x128xf32, #tpu.memory_space<hbm>>
      tpu.enqueue_dma source(%arg12 : memref<2x50x128xf32, #tpu.memory_space<vmem>>) target(%dma_start3A_964 : memref<2x50x128xf32, #tpu.memory_space<hbm>>) target_semaphore(%arg28 : memref<!tpu.dma_semaphore, #tpu.memory_space<semaphore_mem>>)
      %mul3A_965 = arith.constant 8 : i32
      %mul3A_966 = arith.muli %scan3A_502, %mul3A_965 : i32
      %add3A_967 = arith.constant 1 : i32
      %add3A_968 = arith.addi %mul3A_966, %add3A_967 : i32
      %add3A_969 = arith.constant 6 : i32
      %add3A_970 = arith.addi %add3A_968, %add3A_969 : i32
      %dma_wait3A_971 = arith.constant 0 : i32
      %dma_wait3A_972 = arith.constant 0 : i32
      %dma_wait3A_973 = tpu.memref_slice %arg4[%mul3A_2, %dma_wait3A_971, %dma_wait3A_972] : memref<4096x50x128xf32, #tpu.memory_space<hbm>> -> memref<2x50x128xf32, #tpu.memory_space<hbm>>
      %dma_wait3A_974 = arith.constant 0 : i32
      %dma_wait3A_975 = arith.constant 0 : i32
      %dma_wait3A_976 = tpu.memref_slice %arg4[%mul3A_2, %dma_wait3A_974, %dma_wait3A_975] : memref<4096x50x128xf32, #tpu.memory_space<hbm>> -> memref<2x50x128xf32, #tpu.memory_space<hbm>>
      tpu.wait_dma2 semaphore(%arg28 : memref<!tpu.dma_semaphore, #tpu.memory_space<semaphore_mem>>) src(%arg12 : memref<2x50x128xf32, #tpu.memory_space<vmem>>) dst(%dma_wait3A_976 : memref<2x50x128xf32, #tpu.memory_space<hbm>>)
      %add3A_977 = arith.constant 7 : i32
      %add3A_978 = arith.addi %add3A_970, %add3A_977 : i32
      %mul3A_979 = arith.constant 2 : i32
      %mul3A_980 = arith.muli %add3A_978, %mul3A_979 : i32
      %add3A_981 = arith.constant 0 : i32
      %add3A_982 = arith.addi %mul3A_980, %add3A_981 : i32
      %dma_start3A_983 = arith.constant 0 : i32
      %dma_start3A_984 = arith.constant 0 : i32
      %dma_start3A_985 = arith.constant 0 : i32
      %dma_start3A_986 = tpu.memref_slice %arg12[%dma_start3A_983, %dma_start3A_984, %dma_start3A_985] : memref<2x50x128xf32, #tpu.memory_space<vmem>> -> memref<1x50x128xf32, #tpu.memory_space<vmem>>
      %dma_start3A_987 = tpu.memref_squeeze %dma_start3A_986 : memref<1x50x128xf32, #tpu.memory_space<vmem>> -> memref<50x128xf32, #tpu.memory_space<vmem>>
      %dma_start3A_988 = arith.constant 0 : i32
      %dma_start3A_989 = tpu.memref_slice %arg5[%add3A_982, %dma_start3A_988] : memref<128x50xi32, #tpu.memory_space<vmem>> -> memref<1x50xi32, #tpu.memory_space<vmem>>
      %dma_start3A_990 = tpu.memref_squeeze %dma_start3A_989 : memref<1x50xi32, #tpu.memory_space<vmem>> -> memref<50xi32, #tpu.memory_space<vmem>>
      %dma_start3A_991 = arith.constant 0 : i32
      %dma_start3A_992 = arith.constant 0 : i32
      %dma_start3A_993 = tpu.memref_slice %arg3[%dma_start3A_991, %dma_start3A_992] : memref<100000x128xf32, #tpu.memory_space<hbm>> -> memref<100000x128xf32, #tpu.memory_space<hbm>>
      tpu.enqueue_indirect_dma source(%dma_start3A_993 : memref<100000x128xf32, #tpu.memory_space<hbm>>) target(%dma_start3A_987 : memref<50x128xf32, #tpu.memory_space<vmem>>) offsets(%dma_start3A_990 : memref<50xi32, #tpu.memory_space<vmem>>) semaphore(%arg20 : memref<!tpu.dma_semaphore, #tpu.memory_space<semaphore_mem>>)
      %mul3A_994 = arith.constant 2 : i32
      %mul3A_995 = arith.muli %add3A_978, %mul3A_994 : i32
      %add3A_996 = arith.constant 1 : i32
      %add3A_997 = arith.addi %mul3A_995, %add3A_996 : i32
      %dma_start3A_998 = arith.constant 1 : i32
      %dma_start3A_999 = arith.constant 0 : i32
      %dma_start3A_1000 = arith.constant 0 : i32
      %dma_start3A_1001 = tpu.memref_slice %arg12[%dma_start3A_998, %dma_start3A_999, %dma_start3A_1000] : memref<2x50x128xf32, #tpu.memory_space<vmem>> -> memref<1x50x128xf32, #tpu.memory_space<vmem>>
      %dma_start3A_1002 = tpu.memref_squeeze %dma_start3A_1001 : memref<1x50x128xf32, #tpu.memory_space<vmem>> -> memref<50x128xf32, #tpu.memory_space<vmem>>
      %dma_start3A_1003 = arith.constant 0 : i32
      %dma_start3A_1004 = tpu.memref_slice %arg5[%add3A_997, %dma_start3A_1003] : memref<128x50xi32, #tpu.memory_space<vmem>> -> memref<1x50xi32, #tpu.memory_space<vmem>>
      %dma_start3A_1005 = tpu.memref_squeeze %dma_start3A_1004 : memref<1x50xi32, #tpu.memory_space<vmem>> -> memref<50xi32, #tpu.memory_space<vmem>>
      %dma_start3A_1006 = arith.constant 0 : i32
      %dma_start3A_1007 = arith.constant 0 : i32
      %dma_start3A_1008 = tpu.memref_slice %arg3[%dma_start3A_1006, %dma_start3A_1007] : memref<100000x128xf32, #tpu.memory_space<hbm>> -> memref<100000x128xf32, #tpu.memory_space<hbm>>
      tpu.enqueue_indirect_dma source(%dma_start3A_1008 : memref<100000x128xf32, #tpu.memory_space<hbm>>) target(%dma_start3A_1002 : memref<50x128xf32, #tpu.memory_space<vmem>>) offsets(%dma_start3A_1005 : memref<50xi32, #tpu.memory_space<vmem>>) semaphore(%arg20 : memref<!tpu.dma_semaphore, #tpu.memory_space<semaphore_mem>>)
      %dma_wait3A_1009 = arith.constant 0 : i32
      %dma_wait3A_1010 = arith.constant 0 : i32
      %dma_wait3A_1011 = arith.constant 0 : i32
      %dma_wait3A_1012 = arith.constant 0 : i32
      %dma_wait3A_1013 = tpu.memref_slice %arg13[%dma_wait3A_1010, %dma_wait3A_1011, %dma_wait3A_1012] : memref<2x50x128xf32, #tpu.memory_space<vmem>> -> memref<1x50x128xf32, #tpu.memory_space<vmem>>
      %dma_wait3A_1014 = tpu.memref_squeeze %dma_wait3A_1013 : memref<1x50x128xf32, #tpu.memory_space<vmem>> -> memref<50x128xf32, #tpu.memory_space<vmem>>
      %dma_wait3A_1015 = arith.constant 0 : i32
      %dma_wait3A_1016 = tpu.memref_slice %arg5[%dma_wait3A_1009, %dma_wait3A_1015] : memref<128x50xi32, #tpu.memory_space<vmem>> -> memref<1x50xi32, #tpu.memory_space<vmem>>
      %dma_wait3A_1017 = tpu.memref_squeeze %dma_wait3A_1016 : memref<1x50xi32, #tpu.memory_space<vmem>> -> memref<50xi32, #tpu.memory_space<vmem>>
      %dma_wait3A_1018 = arith.constant 0 : i32
      %dma_wait3A_1019 = arith.constant 0 : i32
      %dma_wait3A_1020 = tpu.memref_slice %arg3[%dma_wait3A_1018, %dma_wait3A_1019] : memref<100000x128xf32, #tpu.memory_space<hbm>> -> memref<100000x128xf32, #tpu.memory_space<hbm>>
      tpu.wait_indirect_dma semaphore(%arg21 : memref<!tpu.dma_semaphore, #tpu.memory_space<semaphore_mem>>) src(%dma_wait3A_1020 : memref<100000x128xf32, #tpu.memory_space<hbm>>) dst(%dma_wait3A_1014 : memref<50x128xf32, #tpu.memory_space<vmem>>)
      %dma_wait3A_1021 = arith.constant 0 : i32
      %dma_wait3A_1022 = arith.constant 1 : i32
      %dma_wait3A_1023 = arith.constant 0 : i32
      %dma_wait3A_1024 = arith.constant 0 : i32
      %dma_wait3A_1025 = tpu.memref_slice %arg13[%dma_wait3A_1022, %dma_wait3A_1023, %dma_wait3A_1024] : memref<2x50x128xf32, #tpu.memory_space<vmem>> -> memref<1x50x128xf32, #tpu.memory_space<vmem>>
      %dma_wait3A_1026 = tpu.memref_squeeze %dma_wait3A_1025 : memref<1x50x128xf32, #tpu.memory_space<vmem>> -> memref<50x128xf32, #tpu.memory_space<vmem>>
      %dma_wait3A_1027 = arith.constant 0 : i32
      %dma_wait3A_1028 = tpu.memref_slice %arg5[%dma_wait3A_1021, %dma_wait3A_1027] : memref<128x50xi32, #tpu.memory_space<vmem>> -> memref<1x50xi32, #tpu.memory_space<vmem>>
      %dma_wait3A_1029 = tpu.memref_squeeze %dma_wait3A_1028 : memref<1x50xi32, #tpu.memory_space<vmem>> -> memref<50xi32, #tpu.memory_space<vmem>>
      %dma_wait3A_1030 = arith.constant 0 : i32
      %dma_wait3A_1031 = arith.constant 0 : i32
      %dma_wait3A_1032 = tpu.memref_slice %arg3[%dma_wait3A_1030, %dma_wait3A_1031] : memref<100000x128xf32, #tpu.memory_space<hbm>> -> memref<100000x128xf32, #tpu.memory_space<hbm>>
      tpu.wait_indirect_dma semaphore(%arg21 : memref<!tpu.dma_semaphore, #tpu.memory_space<semaphore_mem>>) src(%dma_wait3A_1032 : memref<100000x128xf32, #tpu.memory_space<hbm>>) dst(%dma_wait3A_1026 : memref<50x128xf32, #tpu.memory_space<vmem>>)
      %mul3A_1033 = arith.constant 2 : i32
      %mul3A_1034 = arith.muli %add3A_970, %mul3A_1033 : i32
      %add3A_1035 = arith.addi %mul3A_2, %mul3A_1034 : i32
      %dma_start3A_1036 = arith.constant 0 : i32
      %dma_start3A_1037 = arith.constant 0 : i32
      %dma_start3A_1038 = tpu.memref_slice %arg4[%add3A_1035, %dma_start3A_1036, %dma_start3A_1037] : memref<4096x50x128xf32, #tpu.memory_space<hbm>> -> memref<2x50x128xf32, #tpu.memory_space<hbm>>
      %dma_start3A_1039 = arith.constant 0 : i32
      %dma_start3A_1040 = arith.constant 0 : i32
      %dma_start3A_1041 = tpu.memref_slice %arg4[%add3A_1035, %dma_start3A_1039, %dma_start3A_1040] : memref<4096x50x128xf32, #tpu.memory_space<hbm>> -> memref<2x50x128xf32, #tpu.memory_space<hbm>>
      tpu.enqueue_dma source(%arg13 : memref<2x50x128xf32, #tpu.memory_space<vmem>>) target(%dma_start3A_1041 : memref<2x50x128xf32, #tpu.memory_space<hbm>>) target_semaphore(%arg29 : memref<!tpu.dma_semaphore, #tpu.memory_space<semaphore_mem>>)
      %mul3A_1042 = arith.constant 8 : i32
      %mul3A_1043 = arith.muli %scan3A_502, %mul3A_1042 : i32
      %add3A_1044 = arith.constant 1 : i32
      %add3A_1045 = arith.addi %mul3A_1043, %add3A_1044 : i32
      %add3A_1046 = arith.constant 7 : i32
      %add3A_1047 = arith.addi %add3A_1045, %add3A_1046 : i32
      %dma_wait3A_1048 = arith.constant 0 : i32
      %dma_wait3A_1049 = arith.constant 0 : i32
      %dma_wait3A_1050 = tpu.memref_slice %arg4[%mul3A_2, %dma_wait3A_1048, %dma_wait3A_1049] : memref<4096x50x128xf32, #tpu.memory_space<hbm>> -> memref<2x50x128xf32, #tpu.memory_space<hbm>>
      %dma_wait3A_1051 = arith.constant 0 : i32
      %dma_wait3A_1052 = arith.constant 0 : i32
      %dma_wait3A_1053 = tpu.memref_slice %arg4[%mul3A_2, %dma_wait3A_1051, %dma_wait3A_1052] : memref<4096x50x128xf32, #tpu.memory_space<hbm>> -> memref<2x50x128xf32, #tpu.memory_space<hbm>>
      tpu.wait_dma2 semaphore(%arg29 : memref<!tpu.dma_semaphore, #tpu.memory_space<semaphore_mem>>) src(%arg13 : memref<2x50x128xf32, #tpu.memory_space<vmem>>) dst(%dma_wait3A_1053 : memref<2x50x128xf32, #tpu.memory_space<hbm>>)
      %add3A_1054 = arith.constant 7 : i32
      %add3A_1055 = arith.addi %add3A_1047, %add3A_1054 : i32
      %mul3A_1056 = arith.constant 2 : i32
      %mul3A_1057 = arith.muli %add3A_1055, %mul3A_1056 : i32
      %add3A_1058 = arith.constant 0 : i32
      %add3A_1059 = arith.addi %mul3A_1057, %add3A_1058 : i32
      %dma_start3A_1060 = arith.constant 0 : i32
      %dma_start3A_1061 = arith.constant 0 : i32
      %dma_start3A_1062 = arith.constant 0 : i32
      %dma_start3A_1063 = tpu.memref_slice %arg13[%dma_start3A_1060, %dma_start3A_1061, %dma_start3A_1062] : memref<2x50x128xf32, #tpu.memory_space<vmem>> -> memref<1x50x128xf32, #tpu.memory_space<vmem>>
      %dma_start3A_1064 = tpu.memref_squeeze %dma_start3A_1063 : memref<1x50x128xf32, #tpu.memory_space<vmem>> -> memref<50x128xf32, #tpu.memory_space<vmem>>
      %dma_start3A_1065 = arith.constant 0 : i32
      %dma_start3A_1066 = tpu.memref_slice %arg5[%add3A_1059, %dma_start3A_1065] : memref<128x50xi32, #tpu.memory_space<vmem>> -> memref<1x50xi32, #tpu.memory_space<vmem>>
      %dma_start3A_1067 = tpu.memref_squeeze %dma_start3A_1066 : memref<1x50xi32, #tpu.memory_space<vmem>> -> memref<50xi32, #tpu.memory_space<vmem>>
      %dma_start3A_1068 = arith.constant 0 : i32
      %dma_start3A_1069 = arith.constant 0 : i32
      %dma_start3A_1070 = tpu.memref_slice %arg3[%dma_start3A_1068, %dma_start3A_1069] : memref<100000x128xf32, #tpu.memory_space<hbm>> -> memref<100000x128xf32, #tpu.memory_space<hbm>>
      tpu.enqueue_indirect_dma source(%dma_start3A_1070 : memref<100000x128xf32, #tpu.memory_space<hbm>>) target(%dma_start3A_1064 : memref<50x128xf32, #tpu.memory_space<vmem>>) offsets(%dma_start3A_1067 : memref<50xi32, #tpu.memory_space<vmem>>) semaphore(%arg21 : memref<!tpu.dma_semaphore, #tpu.memory_space<semaphore_mem>>)
      %mul3A_1071 = arith.constant 2 : i32
      %mul3A_1072 = arith.muli %add3A_1055, %mul3A_1071 : i32
      %add3A_1073 = arith.constant 1 : i32
      %add3A_1074 = arith.addi %mul3A_1072, %add3A_1073 : i32
      %dma_start3A_1075 = arith.constant 1 : i32
      %dma_start3A_1076 = arith.constant 0 : i32
      %dma_start3A_1077 = arith.constant 0 : i32
      %dma_start3A_1078 = tpu.memref_slice %arg13[%dma_start3A_1075, %dma_start3A_1076, %dma_start3A_1077] : memref<2x50x128xf32, #tpu.memory_space<vmem>> -> memref<1x50x128xf32, #tpu.memory_space<vmem>>
      %dma_start3A_1079 = tpu.memref_squeeze %dma_start3A_1078 : memref<1x50x128xf32, #tpu.memory_space<vmem>> -> memref<50x128xf32, #tpu.memory_space<vmem>>
      %dma_start3A_1080 = arith.constant 0 : i32
      %dma_start3A_1081 = tpu.memref_slice %arg5[%add3A_1074, %dma_start3A_1080] : memref<128x50xi32, #tpu.memory_space<vmem>> -> memref<1x50xi32, #tpu.memory_space<vmem>>
      %dma_start3A_1082 = tpu.memref_squeeze %dma_start3A_1081 : memref<1x50xi32, #tpu.memory_space<vmem>> -> memref<50xi32, #tpu.memory_space<vmem>>
      %dma_start3A_1083 = arith.constant 0 : i32
      %dma_start3A_1084 = arith.constant 0 : i32
      %dma_start3A_1085 = tpu.memref_slice %arg3[%dma_start3A_1083, %dma_start3A_1084] : memref<100000x128xf32, #tpu.memory_space<hbm>> -> memref<100000x128xf32, #tpu.memory_space<hbm>>
      tpu.enqueue_indirect_dma source(%dma_start3A_1085 : memref<100000x128xf32, #tpu.memory_space<hbm>>) target(%dma_start3A_1079 : memref<50x128xf32, #tpu.memory_space<vmem>>) offsets(%dma_start3A_1082 : memref<50xi32, #tpu.memory_space<vmem>>) semaphore(%arg21 : memref<!tpu.dma_semaphore, #tpu.memory_space<semaphore_mem>>)
      %dma_wait3A_1086 = arith.constant 0 : i32
      %dma_wait3A_1087 = arith.constant 0 : i32
      %dma_wait3A_1088 = arith.constant 0 : i32
      %dma_wait3A_1089 = arith.constant 0 : i32
      %dma_wait3A_1090 = tpu.memref_slice %arg6[%dma_wait3A_1087, %dma_wait3A_1088, %dma_wait3A_1089] : memref<2x50x128xf32, #tpu.memory_space<vmem>> -> memref<1x50x128xf32, #tpu.memory_space<vmem>>
      %dma_wait3A_1091 = tpu.memref_squeeze %dma_wait3A_1090 : memref<1x50x128xf32, #tpu.memory_space<vmem>> -> memref<50x128xf32, #tpu.memory_space<vmem>>
      %dma_wait3A_1092 = arith.constant 0 : i32
      %dma_wait3A_1093 = tpu.memref_slice %arg5[%dma_wait3A_1086, %dma_wait3A_1092] : memref<128x50xi32, #tpu.memory_space<vmem>> -> memref<1x50xi32, #tpu.memory_space<vmem>>
      %dma_wait3A_1094 = tpu.memref_squeeze %dma_wait3A_1093 : memref<1x50xi32, #tpu.memory_space<vmem>> -> memref<50xi32, #tpu.memory_space<vmem>>
      %dma_wait3A_1095 = arith.constant 0 : i32
      %dma_wait3A_1096 = arith.constant 0 : i32
      %dma_wait3A_1097 = tpu.memref_slice %arg3[%dma_wait3A_1095, %dma_wait3A_1096] : memref<100000x128xf32, #tpu.memory_space<hbm>> -> memref<100000x128xf32, #tpu.memory_space<hbm>>
      tpu.wait_indirect_dma semaphore(%arg14 : memref<!tpu.dma_semaphore, #tpu.memory_space<semaphore_mem>>) src(%dma_wait3A_1097 : memref<100000x128xf32, #tpu.memory_space<hbm>>) dst(%dma_wait3A_1091 : memref<50x128xf32, #tpu.memory_space<vmem>>)
      %dma_wait3A_1098 = arith.constant 0 : i32
      %dma_wait3A_1099 = arith.constant 1 : i32
      %dma_wait3A_1100 = arith.constant 0 : i32
      %dma_wait3A_1101 = arith.constant 0 : i32
      %dma_wait3A_1102 = tpu.memref_slice %arg6[%dma_wait3A_1099, %dma_wait3A_1100, %dma_wait3A_1101] : memref<2x50x128xf32, #tpu.memory_space<vmem>> -> memref<1x50x128xf32, #tpu.memory_space<vmem>>
      %dma_wait3A_1103 = tpu.memref_squeeze %dma_wait3A_1102 : memref<1x50x128xf32, #tpu.memory_space<vmem>> -> memref<50x128xf32, #tpu.memory_space<vmem>>
      %dma_wait3A_1104 = arith.constant 0 : i32
      %dma_wait3A_1105 = tpu.memref_slice %arg5[%dma_wait3A_1098, %dma_wait3A_1104] : memref<128x50xi32, #tpu.memory_space<vmem>> -> memref<1x50xi32, #tpu.memory_space<vmem>>
      %dma_wait3A_1106 = tpu.memref_squeeze %dma_wait3A_1105 : memref<1x50xi32, #tpu.memory_space<vmem>> -> memref<50xi32, #tpu.memory_space<vmem>>
      %dma_wait3A_1107 = arith.constant 0 : i32
      %dma_wait3A_1108 = arith.constant 0 : i32
      %dma_wait3A_1109 = tpu.memref_slice %arg3[%dma_wait3A_1107, %dma_wait3A_1108] : memref<100000x128xf32, #tpu.memory_space<hbm>> -> memref<100000x128xf32, #tpu.memory_space<hbm>>
      tpu.wait_indirect_dma semaphore(%arg14 : memref<!tpu.dma_semaphore, #tpu.memory_space<semaphore_mem>>) src(%dma_wait3A_1109 : memref<100000x128xf32, #tpu.memory_space<hbm>>) dst(%dma_wait3A_1103 : memref<50x128xf32, #tpu.memory_space<vmem>>)
      %mul3A_1110 = arith.constant 2 : i32
      %mul3A_1111 = arith.muli %add3A_1047, %mul3A_1110 : i32
      %add3A_1112 = arith.addi %mul3A_2, %mul3A_1111 : i32
      %dma_start3A_1113 = arith.constant 0 : i32
      %dma_start3A_1114 = arith.constant 0 : i32
      %dma_start3A_1115 = tpu.memref_slice %arg4[%add3A_1112, %dma_start3A_1113, %dma_start3A_1114] : memref<4096x50x128xf32, #tpu.memory_space<hbm>> -> memref<2x50x128xf32, #tpu.memory_space<hbm>>
      %dma_start3A_1116 = arith.constant 0 : i32
      %dma_start3A_1117 = arith.constant 0 : i32
      %dma_start3A_1118 = tpu.memref_slice %arg4[%add3A_1112, %dma_start3A_1116, %dma_start3A_1117] : memref<4096x50x128xf32, #tpu.memory_space<hbm>> -> memref<2x50x128xf32, #tpu.memory_space<hbm>>
      tpu.enqueue_dma source(%arg6 : memref<2x50x128xf32, #tpu.memory_space<vmem>>) target(%dma_start3A_1118 : memref<2x50x128xf32, #tpu.memory_space<hbm>>) target_semaphore(%arg22 : memref<!tpu.dma_semaphore, #tpu.memory_space<semaphore_mem>>)
    }
    %scan3A_229 = arith.constant 7 : i32
    %dma_wait3A_230 = arith.constant 0 : i32
    %dma_wait3A_231 = arith.constant 0 : i32
    %dma_wait3A_232 = arith.constant 0 : i32
    %dma_wait3A_233 = arith.constant 0 : i32
    %dma_wait3A_234 = tpu.memref_slice %arg7[%dma_wait3A_231, %dma_wait3A_232, %dma_wait3A_233] : memref<2x50x128xf32, #tpu.memory_space<vmem>> -> memref<1x50x128xf32, #tpu.memory_space<vmem>>
    %dma_wait3A_235 = tpu.memref_squeeze %dma_wait3A_234 : memref<1x50x128xf32, #tpu.memory_space<vmem>> -> memref<50x128xf32, #tpu.memory_space<vmem>>
    %dma_wait3A_236 = arith.constant 0 : i32
    %dma_wait3A_237 = tpu.memref_slice %arg5[%dma_wait3A_230, %dma_wait3A_236] : memref<128x50xi32, #tpu.memory_space<vmem>> -> memref<1x50xi32, #tpu.memory_space<vmem>>
    %dma_wait3A_238 = tpu.memref_squeeze %dma_wait3A_237 : memref<1x50xi32, #tpu.memory_space<vmem>> -> memref<50xi32, #tpu.memory_space<vmem>>
    %dma_wait3A_239 = arith.constant 0 : i32
    %dma_wait3A_240 = arith.constant 0 : i32
    %dma_wait3A_241 = tpu.memref_slice %arg3[%dma_wait3A_239, %dma_wait3A_240] : memref<100000x128xf32, #tpu.memory_space<hbm>> -> memref<100000x128xf32, #tpu.memory_space<hbm>>
    tpu.wait_indirect_dma semaphore(%arg15 : memref<!tpu.dma_semaphore, #tpu.memory_space<semaphore_mem>>) src(%dma_wait3A_241 : memref<100000x128xf32, #tpu.memory_space<hbm>>) dst(%dma_wait3A_235 : memref<50x128xf32, #tpu.memory_space<vmem>>)
    %dma_wait3A_242 = arith.constant 0 : i32
    %dma_wait3A_243 = arith.constant 1 : i32
    %dma_wait3A_244 = arith.constant 0 : i32
    %dma_wait3A_245 = arith.constant 0 : i32
    %dma_wait3A_246 = tpu.memref_slice %arg7[%dma_wait3A_243, %dma_wait3A_244, %dma_wait3A_245] : memref<2x50x128xf32, #tpu.memory_space<vmem>> -> memref<1x50x128xf32, #tpu.memory_space<vmem>>
    %dma_wait3A_247 = tpu.memref_squeeze %dma_wait3A_246 : memref<1x50x128xf32, #tpu.memory_space<vmem>> -> memref<50x128xf32, #tpu.memory_space<vmem>>
    %dma_wait3A_248 = arith.constant 0 : i32
    %dma_wait3A_249 = tpu.memref_slice %arg5[%dma_wait3A_242, %dma_wait3A_248] : memref<128x50xi32, #tpu.memory_space<vmem>> -> memref<1x50xi32, #tpu.memory_space<vmem>>
    %dma_wait3A_250 = tpu.memref_squeeze %dma_wait3A_249 : memref<1x50xi32, #tpu.memory_space<vmem>> -> memref<50xi32, #tpu.memory_space<vmem>>
    %dma_wait3A_251 = arith.constant 0 : i32
    %dma_wait3A_252 = arith.constant 0 : i32
    %dma_wait3A_253 = tpu.memref_slice %arg3[%dma_wait3A_251, %dma_wait3A_252] : memref<100000x128xf32, #tpu.memory_space<hbm>> -> memref<100000x128xf32, #tpu.memory_space<hbm>>
    tpu.wait_indirect_dma semaphore(%arg15 : memref<!tpu.dma_semaphore, #tpu.memory_space<semaphore_mem>>) src(%dma_wait3A_253 : memref<100000x128xf32, #tpu.memory_space<hbm>>) dst(%dma_wait3A_247 : memref<50x128xf32, #tpu.memory_space<vmem>>)
    %add3A_254 = arith.constant 114 : i32
    %add3A_255 = arith.addi %mul3A_2, %add3A_254 : i32
    %dma_start3A_256 = arith.constant 0 : i32
    %dma_start3A_257 = arith.constant 0 : i32
    %dma_start3A_258 = tpu.memref_slice %arg4[%add3A_255, %dma_start3A_256, %dma_start3A_257] : memref<4096x50x128xf32, #tpu.memory_space<hbm>> -> memref<2x50x128xf32, #tpu.memory_space<hbm>>
    %dma_start3A_259 = arith.constant 0 : i32
    %dma_start3A_260 = arith.constant 0 : i32
    %dma_start3A_261 = tpu.memref_slice %arg4[%add3A_255, %dma_start3A_259, %dma_start3A_260] : memref<4096x50x128xf32, #tpu.memory_space<hbm>> -> memref<2x50x128xf32, #tpu.memory_space<hbm>>
    tpu.enqueue_dma source(%arg7 : memref<2x50x128xf32, #tpu.memory_space<vmem>>) target(%dma_start3A_261 : memref<2x50x128xf32, #tpu.memory_space<hbm>>) target_semaphore(%arg23 : memref<!tpu.dma_semaphore, #tpu.memory_space<semaphore_mem>>)
    %dma_wait3A_262 = arith.constant 0 : i32
    %dma_wait3A_263 = arith.constant 0 : i32
    %dma_wait3A_264 = arith.constant 0 : i32
    %dma_wait3A_265 = arith.constant 0 : i32
    %dma_wait3A_266 = tpu.memref_slice %arg8[%dma_wait3A_263, %dma_wait3A_264, %dma_wait3A_265] : memref<2x50x128xf32, #tpu.memory_space<vmem>> -> memref<1x50x128xf32, #tpu.memory_space<vmem>>
    %dma_wait3A_267 = tpu.memref_squeeze %dma_wait3A_266 : memref<1x50x128xf32, #tpu.memory_space<vmem>> -> memref<50x128xf32, #tpu.memory_space<vmem>>
    %dma_wait3A_268 = arith.constant 0 : i32
    %dma_wait3A_269 = tpu.memref_slice %arg5[%dma_wait3A_262, %dma_wait3A_268] : memref<128x50xi32, #tpu.memory_space<vmem>> -> memref<1x50xi32, #tpu.memory_space<vmem>>
    %dma_wait3A_270 = tpu.memref_squeeze %dma_wait3A_269 : memref<1x50xi32, #tpu.memory_space<vmem>> -> memref<50xi32, #tpu.memory_space<vmem>>
    %dma_wait3A_271 = arith.constant 0 : i32
    %dma_wait3A_272 = arith.constant 0 : i32
    %dma_wait3A_273 = tpu.memref_slice %arg3[%dma_wait3A_271, %dma_wait3A_272] : memref<100000x128xf32, #tpu.memory_space<hbm>> -> memref<100000x128xf32, #tpu.memory_space<hbm>>
    tpu.wait_indirect_dma semaphore(%arg16 : memref<!tpu.dma_semaphore, #tpu.memory_space<semaphore_mem>>) src(%dma_wait3A_273 : memref<100000x128xf32, #tpu.memory_space<hbm>>) dst(%dma_wait3A_267 : memref<50x128xf32, #tpu.memory_space<vmem>>)
    %dma_wait3A_274 = arith.constant 0 : i32
    %dma_wait3A_275 = arith.constant 1 : i32
    %dma_wait3A_276 = arith.constant 0 : i32
    %dma_wait3A_277 = arith.constant 0 : i32
    %dma_wait3A_278 = tpu.memref_slice %arg8[%dma_wait3A_275, %dma_wait3A_276, %dma_wait3A_277] : memref<2x50x128xf32, #tpu.memory_space<vmem>> -> memref<1x50x128xf32, #tpu.memory_space<vmem>>
    %dma_wait3A_279 = tpu.memref_squeeze %dma_wait3A_278 : memref<1x50x128xf32, #tpu.memory_space<vmem>> -> memref<50x128xf32, #tpu.memory_space<vmem>>
    %dma_wait3A_280 = arith.constant 0 : i32
    %dma_wait3A_281 = tpu.memref_slice %arg5[%dma_wait3A_274, %dma_wait3A_280] : memref<128x50xi32, #tpu.memory_space<vmem>> -> memref<1x50xi32, #tpu.memory_space<vmem>>
    %dma_wait3A_282 = tpu.memref_squeeze %dma_wait3A_281 : memref<1x50xi32, #tpu.memory_space<vmem>> -> memref<50xi32, #tpu.memory_space<vmem>>
    %dma_wait3A_283 = arith.constant 0 : i32
    %dma_wait3A_284 = arith.constant 0 : i32
    %dma_wait3A_285 = tpu.memref_slice %arg3[%dma_wait3A_283, %dma_wait3A_284] : memref<100000x128xf32, #tpu.memory_space<hbm>> -> memref<100000x128xf32, #tpu.memory_space<hbm>>
    tpu.wait_indirect_dma semaphore(%arg16 : memref<!tpu.dma_semaphore, #tpu.memory_space<semaphore_mem>>) src(%dma_wait3A_285 : memref<100000x128xf32, #tpu.memory_space<hbm>>) dst(%dma_wait3A_279 : memref<50x128xf32, #tpu.memory_space<vmem>>)
    %add3A_286 = arith.constant 116 : i32
    %add3A_287 = arith.addi %mul3A_2, %add3A_286 : i32
    %dma_start3A_288 = arith.constant 0 : i32
    %dma_start3A_289 = arith.constant 0 : i32
    %dma_start3A_290 = tpu.memref_slice %arg4[%add3A_287, %dma_start3A_288, %dma_start3A_289] : memref<4096x50x128xf32, #tpu.memory_space<hbm>> -> memref<2x50x128xf32, #tpu.memory_space<hbm>>
    %dma_start3A_291 = arith.constant 0 : i32
    %dma_start3A_292 = arith.constant 0 : i32
    %dma_start3A_293 = tpu.memref_slice %arg4[%add3A_287, %dma_start3A_291, %dma_start3A_292] : memref<4096x50x128xf32, #tpu.memory_space<hbm>> -> memref<2x50x128xf32, #tpu.memory_space<hbm>>
    tpu.enqueue_dma source(%arg8 : memref<2x50x128xf32, #tpu.memory_space<vmem>>) target(%dma_start3A_293 : memref<2x50x128xf32, #tpu.memory_space<hbm>>) target_semaphore(%arg24 : memref<!tpu.dma_semaphore, #tpu.memory_space<semaphore_mem>>)
    %dma_wait3A_294 = arith.constant 0 : i32
    %dma_wait3A_295 = arith.constant 0 : i32
    %dma_wait3A_296 = arith.constant 0 : i32
    %dma_wait3A_297 = arith.constant 0 : i32
    %dma_wait3A_298 = tpu.memref_slice %arg9[%dma_wait3A_295, %dma_wait3A_296, %dma_wait3A_297] : memref<2x50x128xf32, #tpu.memory_space<vmem>> -> memref<1x50x128xf32, #tpu.memory_space<vmem>>
    %dma_wait3A_299 = tpu.memref_squeeze %dma_wait3A_298 : memref<1x50x128xf32, #tpu.memory_space<vmem>> -> memref<50x128xf32, #tpu.memory_space<vmem>>
    %dma_wait3A_300 = arith.constant 0 : i32
    %dma_wait3A_301 = tpu.memref_slice %arg5[%dma_wait3A_294, %dma_wait3A_300] : memref<128x50xi32, #tpu.memory_space<vmem>> -> memref<1x50xi32, #tpu.memory_space<vmem>>
    %dma_wait3A_302 = tpu.memref_squeeze %dma_wait3A_301 : memref<1x50xi32, #tpu.memory_space<vmem>> -> memref<50xi32, #tpu.memory_space<vmem>>
    %dma_wait3A_303 = arith.constant 0 : i32
    %dma_wait3A_304 = arith.constant 0 : i32
    %dma_wait3A_305 = tpu.memref_slice %arg3[%dma_wait3A_303, %dma_wait3A_304] : memref<100000x128xf32, #tpu.memory_space<hbm>> -> memref<100000x128xf32, #tpu.memory_space<hbm>>
    tpu.wait_indirect_dma semaphore(%arg17 : memref<!tpu.dma_semaphore, #tpu.memory_space<semaphore_mem>>) src(%dma_wait3A_305 : memref<100000x128xf32, #tpu.memory_space<hbm>>) dst(%dma_wait3A_299 : memref<50x128xf32, #tpu.memory_space<vmem>>)
    %dma_wait3A_306 = arith.constant 0 : i32
    %dma_wait3A_307 = arith.constant 1 : i32
    %dma_wait3A_308 = arith.constant 0 : i32
    %dma_wait3A_309 = arith.constant 0 : i32
    %dma_wait3A_310 = tpu.memref_slice %arg9[%dma_wait3A_307, %dma_wait3A_308, %dma_wait3A_309] : memref<2x50x128xf32, #tpu.memory_space<vmem>> -> memref<1x50x128xf32, #tpu.memory_space<vmem>>
    %dma_wait3A_311 = tpu.memref_squeeze %dma_wait3A_310 : memref<1x50x128xf32, #tpu.memory_space<vmem>> -> memref<50x128xf32, #tpu.memory_space<vmem>>
    %dma_wait3A_312 = arith.constant 0 : i32
    %dma_wait3A_313 = tpu.memref_slice %arg5[%dma_wait3A_306, %dma_wait3A_312] : memref<128x50xi32, #tpu.memory_space<vmem>> -> memref<1x50xi32, #tpu.memory_space<vmem>>
    %dma_wait3A_314 = tpu.memref_squeeze %dma_wait3A_313 : memref<1x50xi32, #tpu.memory_space<vmem>> -> memref<50xi32, #tpu.memory_space<vmem>>
    %dma_wait3A_315 = arith.constant 0 : i32
    %dma_wait3A_316 = arith.constant 0 : i32
    %dma_wait3A_317 = tpu.memref_slice %arg3[%dma_wait3A_315, %dma_wait3A_316] : memref<100000x128xf32, #tpu.memory_space<hbm>> -> memref<100000x128xf32, #tpu.memory_space<hbm>>
    tpu.wait_indirect_dma semaphore(%arg17 : memref<!tpu.dma_semaphore, #tpu.memory_space<semaphore_mem>>) src(%dma_wait3A_317 : memref<100000x128xf32, #tpu.memory_space<hbm>>) dst(%dma_wait3A_311 : memref<50x128xf32, #tpu.memory_space<vmem>>)
    %add3A_318 = arith.constant 118 : i32
    %add3A_319 = arith.addi %mul3A_2, %add3A_318 : i32
    %dma_start3A_320 = arith.constant 0 : i32
    %dma_start3A_321 = arith.constant 0 : i32
    %dma_start3A_322 = tpu.memref_slice %arg4[%add3A_319, %dma_start3A_320, %dma_start3A_321] : memref<4096x50x128xf32, #tpu.memory_space<hbm>> -> memref<2x50x128xf32, #tpu.memory_space<hbm>>
    %dma_start3A_323 = arith.constant 0 : i32
    %dma_start3A_324 = arith.constant 0 : i32
    %dma_start3A_325 = tpu.memref_slice %arg4[%add3A_319, %dma_start3A_323, %dma_start3A_324] : memref<4096x50x128xf32, #tpu.memory_space<hbm>> -> memref<2x50x128xf32, #tpu.memory_space<hbm>>
    tpu.enqueue_dma source(%arg9 : memref<2x50x128xf32, #tpu.memory_space<vmem>>) target(%dma_start3A_325 : memref<2x50x128xf32, #tpu.memory_space<hbm>>) target_semaphore(%arg25 : memref<!tpu.dma_semaphore, #tpu.memory_space<semaphore_mem>>)
    %dma_wait3A_326 = arith.constant 0 : i32
    %dma_wait3A_327 = arith.constant 0 : i32
    %dma_wait3A_328 = arith.constant 0 : i32
    %dma_wait3A_329 = arith.constant 0 : i32
    %dma_wait3A_330 = tpu.memref_slice %arg10[%dma_wait3A_327, %dma_wait3A_328, %dma_wait3A_329] : memref<2x50x128xf32, #tpu.memory_space<vmem>> -> memref<1x50x128xf32, #tpu.memory_space<vmem>>
    %dma_wait3A_331 = tpu.memref_squeeze %dma_wait3A_330 : memref<1x50x128xf32, #tpu.memory_space<vmem>> -> memref<50x128xf32, #tpu.memory_space<vmem>>
    %dma_wait3A_332 = arith.constant 0 : i32
    %dma_wait3A_333 = tpu.memref_slice %arg5[%dma_wait3A_326, %dma_wait3A_332] : memref<128x50xi32, #tpu.memory_space<vmem>> -> memref<1x50xi32, #tpu.memory_space<vmem>>
    %dma_wait3A_334 = tpu.memref_squeeze %dma_wait3A_333 : memref<1x50xi32, #tpu.memory_space<vmem>> -> memref<50xi32, #tpu.memory_space<vmem>>
    %dma_wait3A_335 = arith.constant 0 : i32
    %dma_wait3A_336 = arith.constant 0 : i32
    %dma_wait3A_337 = tpu.memref_slice %arg3[%dma_wait3A_335, %dma_wait3A_336] : memref<100000x128xf32, #tpu.memory_space<hbm>> -> memref<100000x128xf32, #tpu.memory_space<hbm>>
    tpu.wait_indirect_dma semaphore(%arg18 : memref<!tpu.dma_semaphore, #tpu.memory_space<semaphore_mem>>) src(%dma_wait3A_337 : memref<100000x128xf32, #tpu.memory_space<hbm>>) dst(%dma_wait3A_331 : memref<50x128xf32, #tpu.memory_space<vmem>>)
    %dma_wait3A_338 = arith.constant 0 : i32
    %dma_wait3A_339 = arith.constant 1 : i32
    %dma_wait3A_340 = arith.constant 0 : i32
    %dma_wait3A_341 = arith.constant 0 : i32
    %dma_wait3A_342 = tpu.memref_slice %arg10[%dma_wait3A_339, %dma_wait3A_340, %dma_wait3A_341] : memref<2x50x128xf32, #tpu.memory_space<vmem>> -> memref<1x50x128xf32, #tpu.memory_space<vmem>>
    %dma_wait3A_343 = tpu.memref_squeeze %dma_wait3A_342 : memref<1x50x128xf32, #tpu.memory_space<vmem>> -> memref<50x128xf32, #tpu.memory_space<vmem>>
    %dma_wait3A_344 = arith.constant 0 : i32
    %dma_wait3A_345 = tpu.memref_slice %arg5[%dma_wait3A_338, %dma_wait3A_344] : memref<128x50xi32, #tpu.memory_space<vmem>> -> memref<1x50xi32, #tpu.memory_space<vmem>>
    %dma_wait3A_346 = tpu.memref_squeeze %dma_wait3A_345 : memref<1x50xi32, #tpu.memory_space<vmem>> -> memref<50xi32, #tpu.memory_space<vmem>>
    %dma_wait3A_347 = arith.constant 0 : i32
    %dma_wait3A_348 = arith.constant 0 : i32
    %dma_wait3A_349 = tpu.memref_slice %arg3[%dma_wait3A_347, %dma_wait3A_348] : memref<100000x128xf32, #tpu.memory_space<hbm>> -> memref<100000x128xf32, #tpu.memory_space<hbm>>
    tpu.wait_indirect_dma semaphore(%arg18 : memref<!tpu.dma_semaphore, #tpu.memory_space<semaphore_mem>>) src(%dma_wait3A_349 : memref<100000x128xf32, #tpu.memory_space<hbm>>) dst(%dma_wait3A_343 : memref<50x128xf32, #tpu.memory_space<vmem>>)
    %add3A_350 = arith.constant 120 : i32
    %add3A_351 = arith.addi %mul3A_2, %add3A_350 : i32
    %dma_start3A_352 = arith.constant 0 : i32
    %dma_start3A_353 = arith.constant 0 : i32
    %dma_start3A_354 = tpu.memref_slice %arg4[%add3A_351, %dma_start3A_352, %dma_start3A_353] : memref<4096x50x128xf32, #tpu.memory_space<hbm>> -> memref<2x50x128xf32, #tpu.memory_space<hbm>>
    %dma_start3A_355 = arith.constant 0 : i32
    %dma_start3A_356 = arith.constant 0 : i32
    %dma_start3A_357 = tpu.memref_slice %arg4[%add3A_351, %dma_start3A_355, %dma_start3A_356] : memref<4096x50x128xf32, #tpu.memory_space<hbm>> -> memref<2x50x128xf32, #tpu.memory_space<hbm>>
    tpu.enqueue_dma source(%arg10 : memref<2x50x128xf32, #tpu.memory_space<vmem>>) target(%dma_start3A_357 : memref<2x50x128xf32, #tpu.memory_space<hbm>>) target_semaphore(%arg26 : memref<!tpu.dma_semaphore, #tpu.memory_space<semaphore_mem>>)
    %dma_wait3A_358 = arith.constant 0 : i32
    %dma_wait3A_359 = arith.constant 0 : i32
    %dma_wait3A_360 = arith.constant 0 : i32
    %dma_wait3A_361 = arith.constant 0 : i32
    %dma_wait3A_362 = tpu.memref_slice %arg11[%dma_wait3A_359, %dma_wait3A_360, %dma_wait3A_361] : memref<2x50x128xf32, #tpu.memory_space<vmem>> -> memref<1x50x128xf32, #tpu.memory_space<vmem>>
    %dma_wait3A_363 = tpu.memref_squeeze %dma_wait3A_362 : memref<1x50x128xf32, #tpu.memory_space<vmem>> -> memref<50x128xf32, #tpu.memory_space<vmem>>
    %dma_wait3A_364 = arith.constant 0 : i32
    %dma_wait3A_365 = tpu.memref_slice %arg5[%dma_wait3A_358, %dma_wait3A_364] : memref<128x50xi32, #tpu.memory_space<vmem>> -> memref<1x50xi32, #tpu.memory_space<vmem>>
    %dma_wait3A_366 = tpu.memref_squeeze %dma_wait3A_365 : memref<1x50xi32, #tpu.memory_space<vmem>> -> memref<50xi32, #tpu.memory_space<vmem>>
    %dma_wait3A_367 = arith.constant 0 : i32
    %dma_wait3A_368 = arith.constant 0 : i32
    %dma_wait3A_369 = tpu.memref_slice %arg3[%dma_wait3A_367, %dma_wait3A_368] : memref<100000x128xf32, #tpu.memory_space<hbm>> -> memref<100000x128xf32, #tpu.memory_space<hbm>>
    tpu.wait_indirect_dma semaphore(%arg19 : memref<!tpu.dma_semaphore, #tpu.memory_space<semaphore_mem>>) src(%dma_wait3A_369 : memref<100000x128xf32, #tpu.memory_space<hbm>>) dst(%dma_wait3A_363 : memref<50x128xf32, #tpu.memory_space<vmem>>)
    %dma_wait3A_370 = arith.constant 0 : i32
    %dma_wait3A_371 = arith.constant 1 : i32
    %dma_wait3A_372 = arith.constant 0 : i32
    %dma_wait3A_373 = arith.constant 0 : i32
    %dma_wait3A_374 = tpu.memref_slice %arg11[%dma_wait3A_371, %dma_wait3A_372, %dma_wait3A_373] : memref<2x50x128xf32, #tpu.memory_space<vmem>> -> memref<1x50x128xf32, #tpu.memory_space<vmem>>
    %dma_wait3A_375 = tpu.memref_squeeze %dma_wait3A_374 : memref<1x50x128xf32, #tpu.memory_space<vmem>> -> memref<50x128xf32, #tpu.memory_space<vmem>>
    %dma_wait3A_376 = arith.constant 0 : i32
    %dma_wait3A_377 = tpu.memref_slice %arg5[%dma_wait3A_370, %dma_wait3A_376] : memref<128x50xi32, #tpu.memory_space<vmem>> -> memref<1x50xi32, #tpu.memory_space<vmem>>
    %dma_wait3A_378 = tpu.memref_squeeze %dma_wait3A_377 : memref<1x50xi32, #tpu.memory_space<vmem>> -> memref<50xi32, #tpu.memory_space<vmem>>
    %dma_wait3A_379 = arith.constant 0 : i32
    %dma_wait3A_380 = arith.constant 0 : i32
    %dma_wait3A_381 = tpu.memref_slice %arg3[%dma_wait3A_379, %dma_wait3A_380] : memref<100000x128xf32, #tpu.memory_space<hbm>> -> memref<100000x128xf32, #tpu.memory_space<hbm>>
    tpu.wait_indirect_dma semaphore(%arg19 : memref<!tpu.dma_semaphore, #tpu.memory_space<semaphore_mem>>) src(%dma_wait3A_381 : memref<100000x128xf32, #tpu.memory_space<hbm>>) dst(%dma_wait3A_375 : memref<50x128xf32, #tpu.memory_space<vmem>>)
    %add3A_382 = arith.constant 122 : i32
    %add3A_383 = arith.addi %mul3A_2, %add3A_382 : i32
    %dma_start3A_384 = arith.constant 0 : i32
    %dma_start3A_385 = arith.constant 0 : i32
    %dma_start3A_386 = tpu.memref_slice %arg4[%add3A_383, %dma_start3A_384, %dma_start3A_385] : memref<4096x50x128xf32, #tpu.memory_space<hbm>> -> memref<2x50x128xf32, #tpu.memory_space<hbm>>
    %dma_start3A_387 = arith.constant 0 : i32
    %dma_start3A_388 = arith.constant 0 : i32
    %dma_start3A_389 = tpu.memref_slice %arg4[%add3A_383, %dma_start3A_387, %dma_start3A_388] : memref<4096x50x128xf32, #tpu.memory_space<hbm>> -> memref<2x50x128xf32, #tpu.memory_space<hbm>>
    tpu.enqueue_dma source(%arg11 : memref<2x50x128xf32, #tpu.memory_space<vmem>>) target(%dma_start3A_389 : memref<2x50x128xf32, #tpu.memory_space<hbm>>) target_semaphore(%arg27 : memref<!tpu.dma_semaphore, #tpu.memory_space<semaphore_mem>>)
    %dma_wait3A_390 = arith.constant 0 : i32
    %dma_wait3A_391 = arith.constant 0 : i32
    %dma_wait3A_392 = arith.constant 0 : i32
    %dma_wait3A_393 = arith.constant 0 : i32
    %dma_wait3A_394 = tpu.memref_slice %arg12[%dma_wait3A_391, %dma_wait3A_392, %dma_wait3A_393] : memref<2x50x128xf32, #tpu.memory_space<vmem>> -> memref<1x50x128xf32, #tpu.memory_space<vmem>>
    %dma_wait3A_395 = tpu.memref_squeeze %dma_wait3A_394 : memref<1x50x128xf32, #tpu.memory_space<vmem>> -> memref<50x128xf32, #tpu.memory_space<vmem>>
    %dma_wait3A_396 = arith.constant 0 : i32
    %dma_wait3A_397 = tpu.memref_slice %arg5[%dma_wait3A_390, %dma_wait3A_396] : memref<128x50xi32, #tpu.memory_space<vmem>> -> memref<1x50xi32, #tpu.memory_space<vmem>>
    %dma_wait3A_398 = tpu.memref_squeeze %dma_wait3A_397 : memref<1x50xi32, #tpu.memory_space<vmem>> -> memref<50xi32, #tpu.memory_space<vmem>>
    %dma_wait3A_399 = arith.constant 0 : i32
    %dma_wait3A_400 = arith.constant 0 : i32
    %dma_wait3A_401 = tpu.memref_slice %arg3[%dma_wait3A_399, %dma_wait3A_400] : memref<100000x128xf32, #tpu.memory_space<hbm>> -> memref<100000x128xf32, #tpu.memory_space<hbm>>
    tpu.wait_indirect_dma semaphore(%arg20 : memref<!tpu.dma_semaphore, #tpu.memory_space<semaphore_mem>>) src(%dma_wait3A_401 : memref<100000x128xf32, #tpu.memory_space<hbm>>) dst(%dma_wait3A_395 : memref<50x128xf32, #tpu.memory_space<vmem>>)
    %dma_wait3A_402 = arith.constant 0 : i32
    %dma_wait3A_403 = arith.constant 1 : i32
    %dma_wait3A_404 = arith.constant 0 : i32
    %dma_wait3A_405 = arith.constant 0 : i32
    %dma_wait3A_406 = tpu.memref_slice %arg12[%dma_wait3A_403, %dma_wait3A_404, %dma_wait3A_405] : memref<2x50x128xf32, #tpu.memory_space<vmem>> -> memref<1x50x128xf32, #tpu.memory_space<vmem>>
    %dma_wait3A_407 = tpu.memref_squeeze %dma_wait3A_406 : memref<1x50x128xf32, #tpu.memory_space<vmem>> -> memref<50x128xf32, #tpu.memory_space<vmem>>
    %dma_wait3A_408 = arith.constant 0 : i32
    %dma_wait3A_409 = tpu.memref_slice %arg5[%dma_wait3A_402, %dma_wait3A_408] : memref<128x50xi32, #tpu.memory_space<vmem>> -> memref<1x50xi32, #tpu.memory_space<vmem>>
    %dma_wait3A_410 = tpu.memref_squeeze %dma_wait3A_409 : memref<1x50xi32, #tpu.memory_space<vmem>> -> memref<50xi32, #tpu.memory_space<vmem>>
    %dma_wait3A_411 = arith.constant 0 : i32
    %dma_wait3A_412 = arith.constant 0 : i32
    %dma_wait3A_413 = tpu.memref_slice %arg3[%dma_wait3A_411, %dma_wait3A_412] : memref<100000x128xf32, #tpu.memory_space<hbm>> -> memref<100000x128xf32, #tpu.memory_space<hbm>>
    tpu.wait_indirect_dma semaphore(%arg20 : memref<!tpu.dma_semaphore, #tpu.memory_space<semaphore_mem>>) src(%dma_wait3A_413 : memref<100000x128xf32, #tpu.memory_space<hbm>>) dst(%dma_wait3A_407 : memref<50x128xf32, #tpu.memory_space<vmem>>)
    %add3A_414 = arith.constant 124 : i32
    %add3A_415 = arith.addi %mul3A_2, %add3A_414 : i32
    %dma_start3A_416 = arith.constant 0 : i32
    %dma_start3A_417 = arith.constant 0 : i32
    %dma_start3A_418 = tpu.memref_slice %arg4[%add3A_415, %dma_start3A_416, %dma_start3A_417] : memref<4096x50x128xf32, #tpu.memory_space<hbm>> -> memref<2x50x128xf32, #tpu.memory_space<hbm>>
    %dma_start3A_419 = arith.constant 0 : i32
    %dma_start3A_420 = arith.constant 0 : i32
    %dma_start3A_421 = tpu.memref_slice %arg4[%add3A_415, %dma_start3A_419, %dma_start3A_420] : memref<4096x50x128xf32, #tpu.memory_space<hbm>> -> memref<2x50x128xf32, #tpu.memory_space<hbm>>
    tpu.enqueue_dma source(%arg12 : memref<2x50x128xf32, #tpu.memory_space<vmem>>) target(%dma_start3A_421 : memref<2x50x128xf32, #tpu.memory_space<hbm>>) target_semaphore(%arg28 : memref<!tpu.dma_semaphore, #tpu.memory_space<semaphore_mem>>)
    %dma_wait3A_422 = arith.constant 0 : i32
    %dma_wait3A_423 = arith.constant 0 : i32
    %dma_wait3A_424 = arith.constant 0 : i32
    %dma_wait3A_425 = arith.constant 0 : i32
    %dma_wait3A_426 = tpu.memref_slice %arg13[%dma_wait3A_423, %dma_wait3A_424, %dma_wait3A_425] : memref<2x50x128xf32, #tpu.memory_space<vmem>> -> memref<1x50x128xf32, #tpu.memory_space<vmem>>
    %dma_wait3A_427 = tpu.memref_squeeze %dma_wait3A_426 : memref<1x50x128xf32, #tpu.memory_space<vmem>> -> memref<50x128xf32, #tpu.memory_space<vmem>>
    %dma_wait3A_428 = arith.constant 0 : i32
    %dma_wait3A_429 = tpu.memref_slice %arg5[%dma_wait3A_422, %dma_wait3A_428] : memref<128x50xi32, #tpu.memory_space<vmem>> -> memref<1x50xi32, #tpu.memory_space<vmem>>
    %dma_wait3A_430 = tpu.memref_squeeze %dma_wait3A_429 : memref<1x50xi32, #tpu.memory_space<vmem>> -> memref<50xi32, #tpu.memory_space<vmem>>
    %dma_wait3A_431 = arith.constant 0 : i32
    %dma_wait3A_432 = arith.constant 0 : i32
    %dma_wait3A_433 = tpu.memref_slice %arg3[%dma_wait3A_431, %dma_wait3A_432] : memref<100000x128xf32, #tpu.memory_space<hbm>> -> memref<100000x128xf32, #tpu.memory_space<hbm>>
    tpu.wait_indirect_dma semaphore(%arg21 : memref<!tpu.dma_semaphore, #tpu.memory_space<semaphore_mem>>) src(%dma_wait3A_433 : memref<100000x128xf32, #tpu.memory_space<hbm>>) dst(%dma_wait3A_427 : memref<50x128xf32, #tpu.memory_space<vmem>>)
    %dma_wait3A_434 = arith.constant 0 : i32
    %dma_wait3A_435 = arith.constant 1 : i32
    %dma_wait3A_436 = arith.constant 0 : i32
    %dma_wait3A_437 = arith.constant 0 : i32
    %dma_wait3A_438 = tpu.memref_slice %arg13[%dma_wait3A_435, %dma_wait3A_436, %dma_wait3A_437] : memref<2x50x128xf32, #tpu.memory_space<vmem>> -> memref<1x50x128xf32, #tpu.memory_space<vmem>>
    %dma_wait3A_439 = tpu.memref_squeeze %dma_wait3A_438 : memref<1x50x128xf32, #tpu.memory_space<vmem>> -> memref<50x128xf32, #tpu.memory_space<vmem>>
    %dma_wait3A_440 = arith.constant 0 : i32
    %dma_wait3A_441 = tpu.memref_slice %arg5[%dma_wait3A_434, %dma_wait3A_440] : memref<128x50xi32, #tpu.memory_space<vmem>> -> memref<1x50xi32, #tpu.memory_space<vmem>>
    %dma_wait3A_442 = tpu.memref_squeeze %dma_wait3A_441 : memref<1x50xi32, #tpu.memory_space<vmem>> -> memref<50xi32, #tpu.memory_space<vmem>>
    %dma_wait3A_443 = arith.constant 0 : i32
    %dma_wait3A_444 = arith.constant 0 : i32
    %dma_wait3A_445 = tpu.memref_slice %arg3[%dma_wait3A_443, %dma_wait3A_444] : memref<100000x128xf32, #tpu.memory_space<hbm>> -> memref<100000x128xf32, #tpu.memory_space<hbm>>
    tpu.wait_indirect_dma semaphore(%arg21 : memref<!tpu.dma_semaphore, #tpu.memory_space<semaphore_mem>>) src(%dma_wait3A_445 : memref<100000x128xf32, #tpu.memory_space<hbm>>) dst(%dma_wait3A_439 : memref<50x128xf32, #tpu.memory_space<vmem>>)
    %add3A_446 = arith.constant 126 : i32
    %add3A_447 = arith.addi %mul3A_2, %add3A_446 : i32
    %dma_start3A_448 = arith.constant 0 : i32
    %dma_start3A_449 = arith.constant 0 : i32
    %dma_start3A_450 = tpu.memref_slice %arg4[%add3A_447, %dma_start3A_448, %dma_start3A_449] : memref<4096x50x128xf32, #tpu.memory_space<hbm>> -> memref<2x50x128xf32, #tpu.memory_space<hbm>>
    %dma_start3A_451 = arith.constant 0 : i32
    %dma_start3A_452 = arith.constant 0 : i32
    %dma_start3A_453 = tpu.memref_slice %arg4[%add3A_447, %dma_start3A_451, %dma_start3A_452] : memref<4096x50x128xf32, #tpu.memory_space<hbm>> -> memref<2x50x128xf32, #tpu.memory_space<hbm>>
    tpu.enqueue_dma source(%arg13 : memref<2x50x128xf32, #tpu.memory_space<vmem>>) target(%dma_start3A_453 : memref<2x50x128xf32, #tpu.memory_space<hbm>>) target_semaphore(%arg29 : memref<!tpu.dma_semaphore, #tpu.memory_space<semaphore_mem>>)
    %dma_wait3A_454 = arith.constant 0 : i32
    %dma_wait3A_455 = arith.constant 0 : i32
    %dma_wait3A_456 = tpu.memref_slice %arg4[%mul3A_2, %dma_wait3A_454, %dma_wait3A_455] : memref<4096x50x128xf32, #tpu.memory_space<hbm>> -> memref<2x50x128xf32, #tpu.memory_space<hbm>>
    %dma_wait3A_457 = arith.constant 0 : i32
    %dma_wait3A_458 = arith.constant 0 : i32
    %dma_wait3A_459 = tpu.memref_slice %arg4[%mul3A_2, %dma_wait3A_457, %dma_wait3A_458] : memref<4096x50x128xf32, #tpu.memory_space<hbm>> -> memref<2x50x128xf32, #tpu.memory_space<hbm>>
    tpu.wait_dma2 semaphore(%arg22 : memref<!tpu.dma_semaphore, #tpu.memory_space<semaphore_mem>>) src(%arg6 : memref<2x50x128xf32, #tpu.memory_space<vmem>>) dst(%dma_wait3A_459 : memref<2x50x128xf32, #tpu.memory_space<hbm>>)
    %dma_wait3A_460 = arith.constant 0 : i32
    %dma_wait3A_461 = arith.constant 0 : i32
    %dma_wait3A_462 = tpu.memref_slice %arg4[%mul3A_2, %dma_wait3A_460, %dma_wait3A_461] : memref<4096x50x128xf32, #tpu.memory_space<hbm>> -> memref<2x50x128xf32, #tpu.memory_space<hbm>>
    %dma_wait3A_463 = arith.constant 0 : i32
    %dma_wait3A_464 = arith.constant 0 : i32
    %dma_wait3A_465 = tpu.memref_slice %arg4[%mul3A_2, %dma_wait3A_463, %dma_wait3A_464] : memref<4096x50x128xf32, #tpu.memory_space<hbm>> -> memref<2x50x128xf32, #tpu.memory_space<hbm>>
    tpu.wait_dma2 semaphore(%arg23 : memref<!tpu.dma_semaphore, #tpu.memory_space<semaphore_mem>>) src(%arg7 : memref<2x50x128xf32, #tpu.memory_space<vmem>>) dst(%dma_wait3A_465 : memref<2x50x128xf32, #tpu.memory_space<hbm>>)
    %dma_wait3A_466 = arith.constant 0 : i32
    %dma_wait3A_467 = arith.constant 0 : i32
    %dma_wait3A_468 = tpu.memref_slice %arg4[%mul3A_2, %dma_wait3A_466, %dma_wait3A_467] : memref<4096x50x128xf32, #tpu.memory_space<hbm>> -> memref<2x50x128xf32, #tpu.memory_space<hbm>>
    %dma_wait3A_469 = arith.constant 0 : i32
    %dma_wait3A_470 = arith.constant 0 : i32
    %dma_wait3A_471 = tpu.memref_slice %arg4[%mul3A_2, %dma_wait3A_469, %dma_wait3A_470] : memref<4096x50x128xf32, #tpu.memory_space<hbm>> -> memref<2x50x128xf32, #tpu.memory_space<hbm>>
    tpu.wait_dma2 semaphore(%arg24 : memref<!tpu.dma_semaphore, #tpu.memory_space<semaphore_mem>>) src(%arg8 : memref<2x50x128xf32, #tpu.memory_space<vmem>>) dst(%dma_wait3A_471 : memref<2x50x128xf32, #tpu.memory_space<hbm>>)
    %dma_wait3A_472 = arith.constant 0 : i32
    %dma_wait3A_473 = arith.constant 0 : i32
    %dma_wait3A_474 = tpu.memref_slice %arg4[%mul3A_2, %dma_wait3A_472, %dma_wait3A_473] : memref<4096x50x128xf32, #tpu.memory_space<hbm>> -> memref<2x50x128xf32, #tpu.memory_space<hbm>>
    %dma_wait3A_475 = arith.constant 0 : i32
    %dma_wait3A_476 = arith.constant 0 : i32
    %dma_wait3A_477 = tpu.memref_slice %arg4[%mul3A_2, %dma_wait3A_475, %dma_wait3A_476] : memref<4096x50x128xf32, #tpu.memory_space<hbm>> -> memref<2x50x128xf32, #tpu.memory_space<hbm>>
    tpu.wait_dma2 semaphore(%arg25 : memref<!tpu.dma_semaphore, #tpu.memory_space<semaphore_mem>>) src(%arg9 : memref<2x50x128xf32, #tpu.memory_space<vmem>>) dst(%dma_wait3A_477 : memref<2x50x128xf32, #tpu.memory_space<hbm>>)
    %dma_wait3A_478 = arith.constant 0 : i32
    %dma_wait3A_479 = arith.constant 0 : i32
    %dma_wait3A_480 = tpu.memref_slice %arg4[%mul3A_2, %dma_wait3A_478, %dma_wait3A_479] : memref<4096x50x128xf32, #tpu.memory_space<hbm>> -> memref<2x50x128xf32, #tpu.memory_space<hbm>>
    %dma_wait3A_481 = arith.constant 0 : i32
    %dma_wait3A_482 = arith.constant 0 : i32
    %dma_wait3A_483 = tpu.memref_slice %arg4[%mul3A_2, %dma_wait3A_481, %dma_wait3A_482] : memref<4096x50x128xf32, #tpu.memory_space<hbm>> -> memref<2x50x128xf32, #tpu.memory_space<hbm>>
    tpu.wait_dma2 semaphore(%arg26 : memref<!tpu.dma_semaphore, #tpu.memory_space<semaphore_mem>>) src(%arg10 : memref<2x50x128xf32, #tpu.memory_space<vmem>>) dst(%dma_wait3A_483 : memref<2x50x128xf32, #tpu.memory_space<hbm>>)
    %dma_wait3A_484 = arith.constant 0 : i32
    %dma_wait3A_485 = arith.constant 0 : i32
    %dma_wait3A_486 = tpu.memref_slice %arg4[%mul3A_2, %dma_wait3A_484, %dma_wait3A_485] : memref<4096x50x128xf32, #tpu.memory_space<hbm>> -> memref<2x50x128xf32, #tpu.memory_space<hbm>>
    %dma_wait3A_487 = arith.constant 0 : i32
    %dma_wait3A_488 = arith.constant 0 : i32
    %dma_wait3A_489 = tpu.memref_slice %arg4[%mul3A_2, %dma_wait3A_487, %dma_wait3A_488] : memref<4096x50x128xf32, #tpu.memory_space<hbm>> -> memref<2x50x128xf32, #tpu.memory_space<hbm>>
    tpu.wait_dma2 semaphore(%arg27 : memref<!tpu.dma_semaphore, #tpu.memory_space<semaphore_mem>>) src(%arg11 : memref<2x50x128xf32, #tpu.memory_space<vmem>>) dst(%dma_wait3A_489 : memref<2x50x128xf32, #tpu.memory_space<hbm>>)
    %dma_wait3A_490 = arith.constant 0 : i32
    %dma_wait3A_491 = arith.constant 0 : i32
    %dma_wait3A_492 = tpu.memref_slice %arg4[%mul3A_2, %dma_wait3A_490, %dma_wait3A_491] : memref<4096x50x128xf32, #tpu.memory_space<hbm>> -> memref<2x50x128xf32, #tpu.memory_space<hbm>>
    %dma_wait3A_493 = arith.constant 0 : i32
    %dma_wait3A_494 = arith.constant 0 : i32
    %dma_wait3A_495 = tpu.memref_slice %arg4[%mul3A_2, %dma_wait3A_493, %dma_wait3A_494] : memref<4096x50x128xf32, #tpu.memory_space<hbm>> -> memref<2x50x128xf32, #tpu.memory_space<hbm>>
    tpu.wait_dma2 semaphore(%arg28 : memref<!tpu.dma_semaphore, #tpu.memory_space<semaphore_mem>>) src(%arg12 : memref<2x50x128xf32, #tpu.memory_space<vmem>>) dst(%dma_wait3A_495 : memref<2x50x128xf32, #tpu.memory_space<hbm>>)
    %dma_wait3A_496 = arith.constant 0 : i32
    %dma_wait3A_497 = arith.constant 0 : i32
    %dma_wait3A_498 = tpu.memref_slice %arg4[%mul3A_2, %dma_wait3A_496, %dma_wait3A_497] : memref<4096x50x128xf32, #tpu.memory_space<hbm>> -> memref<2x50x128xf32, #tpu.memory_space<hbm>>
    %dma_wait3A_499 = arith.constant 0 : i32
    %dma_wait3A_500 = arith.constant 0 : i32
    %dma_wait3A_501 = tpu.memref_slice %arg4[%mul3A_2, %dma_wait3A_499, %dma_wait3A_500] : memref<4096x50x128xf32, #tpu.memory_space<hbm>> -> memref<2x50x128xf32, #tpu.memory_space<hbm>>
    tpu.wait_dma2 semaphore(%arg29 : memref<!tpu.dma_semaphore, #tpu.memory_space<semaphore_mem>>) src(%arg13 : memref<2x50x128xf32, #tpu.memory_space<vmem>>) dst(%dma_wait3A_501 : memref<2x50x128xf32, #tpu.memory_space<hbm>>)
    return
  }
}

</mosaic_0001>

<sc_bundles>
// kernel: _emb_call.3.cloned.1.call-start
scs
__scs_entry_jumppad:
0x0: {  	(pc) =	sbr.rel $0x88, $3  }
0x1: {  	(tag) =	ssettag $0x0;
	lr =	simm.s32 $0x1  }
0x2: {  	[smem:$0x3F9F] =	sst lr;
	_ =	strace $0xD0000000  }
0x3: {  	_ = 	snop  }
0x4: {  	_ = 	snop  }
0x5: {  	_ = 	snop  }
0x6: {  	_ = 	snop  }
0x7: {  	_ = 	snop  }
__scs_overlays_trampoline_lowered:
0x8: {  	[smem:$0x3FAE] =	sst s0  }
0x9: {  	[smem:$0x3FAF] =	sst s1  }
0xa: {  	[smem:$0x3FB0] =	sst s2  }
0xb: {  	[smem:$0x3FB1] =	sst s3  }
0xc: {  	[smem:$0x3FB2] =	sst s4  }
0xd: {  	[smem:$0x3FB3] =	sst s5  }
0xe: {  	[smem:$0x3FB4] =	sst s6  }
0xf: {  	[smem:$0x3FB5] =	sst s7  }
0x10: {  	[smem:$0x3FB6] =	sst s8  }
0x11: {  	[smem:$0x3FB7] =	sst s9;
	s0 =	simm.s32 @!p0 $0x0  }
0x12: {  	s1 =	sld [smem:$0x3F9D];
	s0 =	simm.s32 @p0 $0x1  }
0x13: {  	[smem:$0x3FB8] =	sst s0;
	s0 =	simm.s32 @!p1 $0x0  }
0x14: {  	s2 =	sld [smem:$0x3F9C];
	s0 =	simm.s32 @p1 $0x1  }
0x15: {  	[smem:$0x3FB9] =	sst s0;
	s0 =	simm.s32 @!p2 $0x0  }
0x16: {  	s3 =	sld [smem:$0x3FDB];
	s0 =	simm.s32 @p2 $0x1  }
0x17: {  	s4 =	simm.s32 $0x1BF5;
	[smem:$0x3FBB] =	sst s0  }
0x18: {  	s0 =	sld [smem:$0x3F9E];
	_ =	swait.ge [sflag:s4], $0x0  }
0x19: {  	s7 =	sld [smem:$0x3F9F]  }
0x1a: {  	s8 =	sadd.s32 $0xFFFFE003, lr  }
0x1b: {  	s9 =	sadd.s32 $0xFFFFFEF7, lr;
	s5 =	simm.s32 $0xFFFFFFFF;
	p2 =	slt.u32 s8, $0xFFFFF086  }
0x1c: {  	p1 =	slt.u32 s9, $0xF7A;
	s5 =	simm.s32 @!p2 $0x0  }
0x1d: {  	s5 =	simm.s32 @p1 $0x1;
	p0 =	seq.s32 s7, s2  }
0x1e: {  	s7 =	smul.u32 @!p0 $0xF7A, s2;
	p2 =	seq.s32 @!p0 s5, $0x0  }
0x1f: {  	s9 =	smul.u32 $0xF7A, s1;
	s8 =	simm.s32 @!p0 $0x1BF5;
	p2 =	por !p2, p0  }
0x20: {  	[sflag:s8] =	ssyncset.s32 @!p0 $0xFFFFF086;
	s6 =	sadd.s32 @!p0 s3, s7;
	s7 =	simm.s32 @!p0 $0x108  }
0x21: {  	s3 =	sadd.s32 s3, s9;
	s6 =	sadd.s32 @!p0 $0x88, s6;
	s7 =	simm.s32 @p2 $0x1082  }
0x22: {  	[simem:s7], [sflag:s8] =	dma.local @!p0 [hbm:s6], $0xF7A  }
0x23: {  	s9 =	sor.u32 $0xD0000000, s2;
	s6 =	simm.s32 $0x108;
	_ =	swait.ge @!p0 [sflag:s8], $0x0  }
0x24: {  	s3 =	sadd.s32 $0x88, s3;
	s6 =	simm.s32 @!p1 $0x1082;
	[sflag:s4] =	ssyncset.s32 $0xFFFFF086  }
0x25: {  	[simem:s6], [sflag:s4] =	dma.local [hbm:s3], $0xF7A  }
0x26: {  	[smem:$0x3F9F] =	sst s1;
	(tag) =	ssettag s2;
	_ =	strace s9  }
0x27: {  	s1 =	sld [smem:$0x3FAF]  }
0x28: {  	s2 =	sld [smem:$0x3FB0]  }
0x29: {  	s4 =	sld [smem:$0x3FB2]  }
0x2a: {  	p0 =	seq.s32 s5, $0x0;
	s5 =	sld [smem:$0x3FB3]  }
0x2b: {  	s6 =	sld [smem:$0x3FB4]  }
0x2c: {  	s7 =	sld [smem:$0x3FB5]  }
0x2d: {  	s3 =	simm.s32 $0x108;
	s8 =	sld [smem:$0x3FB6]  }
0x2e: {  	s3 =	simm.s32 @!p0 $0x1082;
	s9 =	sld [smem:$0x3FB7]  }
0x2f: {  	lr =	sadd.s32 s0, s3;
	s0 =	sld [smem:$0x3FAE]  }
0x30: {  	s3 =	sld [smem:$0x3FB1]  }
0x31: {  	[smem:$0x3FBA] =	sst s10  }
0x32: {  	s10 =	sld [smem:$0x3FB8];
	_ =	sdelay $0x3  }
0x33: {  	p0 =	seq.s32 s10, $0x1;
	s10 =	sld [smem:$0x3FBA];
	_ =	sdelay $0x3  }
0x34: {  	[smem:$0x3FBA] =	sst s10  }
0x35: {  	s10 =	sld [smem:$0x3FB9];
	_ =	sdelay $0x3  }
0x36: {  	p1 =	seq.s32 s10, $0x1;
	s10 =	sld [smem:$0x3FBA];
	_ =	sdelay $0x3  }
0x37: {  	[smem:$0x3FBA] =	sst s10  }
0x38: {  	s10 =	sld [smem:$0x3FBB]  }
0x39: {  	_ = 	snop;
	(pc) =	sbr.ind lr, $3  }
0x3a: {  	_ = 	snop  }
0x3b: {  	_ = 	snop  }
0x3c: {  	p2 =	seq.s32 s10, $0x1;
	s10 =	sld [smem:$0x3FBA]  }
0x3d: {  	_ =	shalt  }
0x3e: {  	_ =	shalt  }
0x3f: {  	_ =	shalt  }
0x40: {  	_ =	shalt  }
0x41: {  	_ =	shalt  }
0x42: {  	_ =	shalt  }
0x43: {  	_ =	shalt  }
0x44: {  	_ =	shalt  }
0x45: {  	_ =	shalt  }
0x46: {  	_ =	shalt  }
0x47: {  	_ =	shalt  }
0x48: {  	_ =	shalt  }
0x49: {  	_ =	shalt  }
0x4a: {  	_ =	shalt  }
0x4b: {  	_ =	shalt  }
0x4c: {  	_ =	shalt  }
0x4d: {  	_ =	shalt  }
0x4e: {  	_ =	shalt  }
0x4f: {  	_ =	shalt  }
0x50: {  	_ =	shalt  }
0x51: {  	_ =	shalt  }
0x52: {  	_ =	shalt  }
0x53: {  	_ =	shalt  }
0x54: {  	_ =	shalt  }
0x55: {  	_ =	shalt  }
0x56: {  	_ =	shalt  }
0x57: {  	_ =	shalt  }
0x58: {  	_ =	shalt  }
0x59: {  	_ =	shalt  }
0x5a: {  	_ =	shalt  }
0x5b: {  	_ =	shalt  }
0x5c: {  	_ =	shalt  }
0x5d: {  	_ =	shalt  }
0x5e: {  	_ =	shalt  }
0x5f: {  	_ =	shalt  }
0x60: {  	_ =	shalt  }
0x61: {  	_ =	shalt  }
0x62: {  	_ =	shalt  }
0x63: {  	_ =	shalt  }
0x64: {  	_ =	shalt  }
0x65: {  	_ =	shalt  }
0x66: {  	_ =	shalt  }
0x67: {  	_ =	shalt  }
0x68: {  	_ =	shalt  }
0x69: {  	_ =	shalt  }
0x6a: {  	_ =	shalt  }
0x6b: {  	_ =	shalt  }
0x6c: {  	_ =	shalt  }
0x6d: {  	_ =	shalt  }
0x6e: {  	_ =	shalt  }
0x6f: {  	_ =	shalt  }
0x70: {  	_ =	shalt  }
0x71: {  	_ =	shalt  }
0x72: {  	_ =	shalt  }
0x73: {  	_ =	shalt  }
0x74: {  	_ =	shalt  }
0x75: {  	_ =	shalt  }
0x76: {  	_ =	shalt  }
0x77: {  	_ =	shalt  }
0x78: {  	_ =	shalt  }
0x79: {  	_ =	shalt  }
0x7a: {  	_ =	shalt  }
0x7b: {  	_ =	shalt  }
0x7c: {  	_ =	shalt  }
0x7d: {  	_ =	shalt  }
0x7e: {  	_ =	shalt  }
0x7f: {  	_ =	shalt  }
0x80: {  	_ =	shalt  }
0x81: {  	_ =	shalt  }
0x82: {  	_ =	shalt  }
0x83: {  	_ =	shalt  }
0x84: {  	_ =	shalt  }
0x85: {  	_ =	shalt  }
0x86: {  	_ =	shalt  }
0x87: {  	_ =	shalt  }
.Lfunc_end0:
.L_simem_size_0:
called_computation_lowered:
.L_overlay_start_0:
0x88: {  	s2 =	sld [smem:$0x3FD9]  }
0x89: {  	s3 =	sld [smem:$0x3FFE];
	_ =	sdelay $0x1  }
0x8a: {  	s1 =	srdreg.scid  }
0x8b: {  	s0 =	sand.u32 $0x1, s1  }
0x8c: {  	s17 =	sshll.u32 s0, $0xA;
	s2 =	sadd.s32 s3, s2  }
0x8d: {  	s2 =	sadd.s32 s2, s17  }
0x8e: {  	[smem:$0x3FC6] =	sst s2  }
0x8f: {  	_ = 	snop  }
0x90: {  	s2 =	sld [smem:$0x3FC8]  }
0x91: {  	s18 =	sld [smem:$0x3FD0];
	(tm) =	ssettm $0x1  }
0x92: {  	s4 =	sld [smem:$0x3FFB];
	_ =	sdelay $0x3  }
0x93: {  	_ =	strace s4  }
0x94: {  	s4 =	sld [smem:$0x3FFC];
	_ =	sdelay $0x3  }
0x95: {  	_ =	strace s4  }
0x96: {  	s4 =	sld [smem:$0x3FFD];
	_ =	sdelay $0x3  }
0x97: {  	_ =	strace s4  }
0x98: {  	_ =	strace $0x8FFFFFFF  }
0x99: {  	s19 =	sld [smem:$0x3FDB];
	_ =	sdelay $0x1  }
0x9a: {  	s5 =	simm.s32 $_scs_section_size  }
0x9b: {  	s6 =	simm.s32 $_size__tile_overlayer_lowered;
	s7 =	simm.s32 $_tile_overlayer_lowered  }
0x9c: {  	s22 =	simm.s32 $0x1BFF;
	s21 =	sshll.u32 s7, $0x1;
	s4 =	sadd.s32 s5, s19  }
0x9d: {  	s8 =	simm.s32 $0x0;
	s20 =	sshll.u32 s6, $0x1;
	s6 =	sadd.s32 s21, s4  }
0x9e: {  	[timem:s8], [sflag:s22] =	dma.local [hbm:s6], s20  }
0x9f: {  	_ =	swait.ge [sflag:s22], s20  }
0xa0: {  	s5 =	ssub.s32 $0x0, s20;
	[sflag:s22] =	ssyncset.done $0x0  }
0xa1: {  	[sflag:s22] =	ssyncadd.s32 s5;
	_ =	sdelay $0x1  }
0xa2: {  	s23 =	simm.s32 $0x1B8B  }
0xa3: {  	_ =	swait.ge [sflag:s23], $0x1  }
0xa4: {  	[sflag:s23] =	ssyncset.done $0x0  }
0xa5: {  	s25 =	simm.s32 $0x1B8E;
	s24 =	sld [smem:$0x3FFE];
	[sflag:s23] =	ssyncadd.s32 $0xFFFFFFFF  }
0xa6: {  	s26 =	simm.s32 $execute0_lowered;
	[smem:$0x3FD2] =	sst s25  }
0xa7: {  	s6 =	sshll.u32 s26, $0x1;
	_ =	strace $0x80000046;
	[dreg:$0x1] =	wrdreg $0xFFFFFFFF  }
0xa8: {  	s28 =	simm.s32 $_size_execute0_lowered;
	s4 =	sadd.s32 s4, s6;
	[dreg:$0x0] =	wrdreg $0x0  }
0xa9: {  	s6 =	sshll.u32 s28, $0x1;
	[dreg:$0x2] =	wrdreg s4  }
0xaa: {  	[dreg:$0x3] =	wrdreg s6  }
0xab: {  	[dreg:$0x4] =	wrdreg $0xC0  }
0xac: {  	_ =	task [dreg:s8], $0x5FFFF  }
0xad: {  	[dreg:$0x1] =	wrdreg $0xFFFFFFFF  }
0xae: {  	[dreg:$0x0] =	wrdreg $0x60  }
0xaf: {  	[dreg:$0x2] =	wrdreg s18  }
0xb0: {  	[dreg:$0x3] =	wrdreg s2  }
0xb1: {  	[dreg:$0x4] =	wrdreg s24  }
0xb2: {  	[dreg:$0x5] =	wrdreg $0x9  }
0xb3: {  	_ =	task.clear_ibuf [dreg:s8], $0x6FFFF;
	_ =	strace $0x90000046  }
0xb4: {  	s29 =	simm.s32 $0x9;
	_ =	strace $0x80000048  }
0xb5: {  	_ =	swait.ge [sflag:s29], $0x1  }
0xb6: {  	[sflag:s29] =	ssyncadd.s32 $0xFFFFFFFF  }
0xb7: {  	_ =	strace $0x90000048  }
0xb8: {  	_ =	sfence  }
0xb9: {  	s30 =	sld [smem:$0x0];
	_ =	sdelay $0x2  }
0xba: {  	s31 =	sshll.u32 s1, $0xD;
	s1 =	sshrl.u32 s1, $0x2  }
0xbb: {  	s3 =	sand.u32 $0x4000, s31;
	s1 =	sadd.s32 s1, s30  }
0xbc: {  	s0 =	sor.u32 s3, s0;
	s1 =	sshll.u32 s1, $0x11  }
0xbd: {  	s0 =	sor.u32 s1, s0  }
0xbe: {  	s0 =	sadd.s32 $0x8F2B, s0  }
0xbf: {  	[sflag:s0] =	ssyncadd.remote.s32 $0x1  }
0xc0: {  	_ =	sfence.sel $0xFFFF  }
0xc1: {  	[dreg:$0x0] =	wrdreg $0xFFFFFFFF;
	(pc) =	sbr.abs _section_cstart, $3  }
0xc2: {  	[dreg:$0x1] =	wrdreg $0xFFFFFFFF  }
0xc3: {  	_ =	task.clear_ibuf [dreg:s8], $0x2FFFF;
	_ =	strace $0x9FFFFFFF  }
0xc4: {  	(tm) =	ssettm $0x7FFFFFFF  }
0xc5: {  	_ =	shalt  }
tec
execute0_lowered:
.L_overlay_start_1:
0x0: {  	(tag) =	ssettag $0x1  }
0x1: {  	s0 =	rddreg [dreg:$0x0]  }
0x2: {  	s2 =	rddreg [dreg:$0x1]  }
0x3: {  	s1 =	rddreg [dreg:$0x2]  }
0x4: {  	s4 =	srdreg.scid;
	s10 =	stileid.u32;
	s3 =	simm.s32 $0x0  }
0x5: {  	s16 =	simm.s32 $0x32;
	s18 =	simm.s32 $0x4000;
	s12 =	simm.s32 $0x6  }
0x6: {  	s17 =	simm.s32 $0x7;
	s4 =	sand.u32 $0x1, s4;
	s5 =	sshll.u32 s10, $0x1  }
0x7: {  	s15 =	simm.s32 $0x1;
	[smem:$0x7FF] =	sst s3;
	s5 =	sor.u32 s4, s5  }
0x8: {  	s1 =	sadd.s32 $0x400, s1;
	s6 =	ssub.s32 $0x2, s4;
	s7 =	smul.u32 $0xE0000, s5  }
0x9: {  	s8 =	sshrl.u32 s6, $0x1;
	s9 =	smul.u32 $0x1C000, s5;
	s5 =	sshll.u32 s5, $0xB  }
0xa: {  	_ =	strace $0x80000047;
	s6 =	ssub.s32 s6, s8;
	s0 =	sadd.s32 s0, s5  }
0xb: {  	s7 =	sshrl.u32 s7, $0x3;
	[dreg:$0x4] =	wrdreg s0;
	s21 =	sadd.s32 s1, s9  }
0xc: {  	s30 =	smax.u32 s6, $0x1;
	[dreg:$0x5] =	wrdreg s21;
	s22 =	sadd.s32 s1, s7  }
0xd: {  	s25 =	smul.u32 $0x38000, s10;
	[dreg:$0xd] =	wrdreg s30;
	s23 =	sadd.s32 $0x18F00, s22  }
0xe: {  	s10 =	simm.s32 $0x5;
	s24 =	sadd.s32 $0x19600, s22;
	[dreg:$0x6] =	wrdreg s23  }
0xf: {  	s4 =	smul.u32 $0x1C000, s4;
	s7 =	sadd.s32 $0x19D00, s22;
	[dreg:$0x7] =	wrdreg s24  }
0x10: {  	s8 =	simm.s32 $0x4;
	s26 =	sadd.s32 $0x1A400, s22;
	[dreg:$0x8] =	wrdreg s7  }
0x11: {  	s5 =	simm.s32 $0x0;
	s28 =	sadd.s32 $0x1AB00, s22;
	[dreg:$0x9] =	wrdreg s26  }
0x12: {  	s1 =	sadd.s32 s25, s1;
	s29 =	sadd.s32 $0x1B200, s22;
	[dreg:$0xa] =	wrdreg s28  }
0x13: {  	s0 =	sadd.s32 $0x1B900, s22;
	s31 =	sadd.s32 s4, s1;
	[dreg:$0xb] =	wrdreg s29  }
0x14: {  	s6 =	simm.s32 $0x3;
	[dreg:$0xc] =	wrdreg s0;
	s0 =	sadd.s32 $0x1C00, s31  }
0x15: {  	s21 =	simm.s32 $0x8;
	s1 =	simm.s32 $0x1;
	[dreg:$0xe] =	wrdreg s0  }
.LBB2_1:
0x16: {  	[dreg:$0xf] =	wrdreg s5  }
0x17: {  	s0 =	rddreg [dreg:$0x4];
	s13 =	simm.s32 $0x11  }
0x18: {  	[tilespmem:s3], [sflag:$0x11] =	stream.linear.gather [hbm4b:s0+s3], $0x4000, $0x38;
	v63 =	vld [tilespmem:$0x0]  }
0x19: {  	_ =	swait.ge [sflag:s13], $0x4000  }
0x1a: {  	[sflag:s13] =	ssyncset.done $0x0  }
0x1b: {  	[sflag:s13] =	ssyncadd.s32 $0xFFFFC000  }
0x1c: {  	[tilespmem:s18], [sflag:$0x1] =	stream.indirect.gather [hbm4b:s2+s16], $0x80, s3, s16, $0xb8;
	v63 =	vld [tilespmem:$0x0]  }
0x1d: {  	s14 =	simm.s32 $0x80;
	s22 =	simm.s32 $0x5C00  }
0x1e: {  	[tilespmem:s22], [sflag:$0x1] =	stream.indirect.gather [hbm4b:s2+s16], $0x80, s14, s16, $0xb8;
	v63 =	vld [tilespmem:$0x0]  }
0x1f: {  	s19 =	simm.s32 $0x100;
	s26 =	simm.s32 $0x7800  }
0x20: {  	[tilespmem:s26], [sflag:$0x2] =	stream.indirect.gather [hbm4b:s2+s16], $0x80, s19, s16, $0xb8;
	v63 =	vld [tilespmem:$0x0]  }
0x21: {  	s20 =	simm.s32 $0x180;
	s28 =	simm.s32 $0x9400  }
0x22: {  	[tilespmem:s28], [sflag:$0x2] =	stream.indirect.gather [hbm4b:s2+s16], $0x80, s20, s16, $0xb8;
	v63 =	vld [tilespmem:$0x0]  }
0x23: {  	s23 =	simm.s32 $0x200;
	s20 =	simm.s32 $0xB000  }
0x24: {  	[tilespmem:s20], [sflag:$0x3] =	stream.indirect.gather [hbm4b:s2+s16], $0x80, s23, s16, $0xb8;
	v63 =	vld [tilespmem:$0x0]  }
0x25: {  	s24 =	simm.s32 $0x280;
	s29 =	simm.s32 $0xCC00  }
0x26: {  	[tilespmem:s29], [sflag:$0x3] =	stream.indirect.gather [hbm4b:s2+s16], $0x80, s24, s16, $0xb8;
	v63 =	vld [tilespmem:$0x0]  }
0x27: {  	s25 =	simm.s32 $0x300;
	s24 =	simm.s32 $0xE800  }
0x28: {  	[tilespmem:s24], [sflag:$0x4] =	stream.indirect.gather [hbm4b:s2+s16], $0x80, s25, s16, $0xb8;
	v63 =	vld [tilespmem:$0x0]  }
0x29: {  	s31 =	simm.s32 $0x380;
	s4 =	simm.s32 $0x10400  }
0x2a: {  	[tilespmem:s4], [sflag:$0x4] =	stream.indirect.gather [hbm4b:s2+s16], $0x80, s31, s16, $0xb8;
	v63 =	vld [tilespmem:$0x0]  }
0x2b: {  	s5 =	simm.s32 $0x400;
	s13 =	simm.s32 $0x12000  }
0x2c: {  	[tilespmem:s13], [sflag:$0x5] =	stream.indirect.gather [hbm4b:s2+s16], $0x80, s5, s16, $0xb8;
	v63 =	vld [tilespmem:$0x0]  }
0x2d: {  	s7 =	simm.s32 $0x480;
	s5 =	simm.s32 $0x13C00  }
0x2e: {  	[tilespmem:s5], [sflag:$0x5] =	stream.indirect.gather [hbm4b:s2+s16], $0x80, s7, s16, $0xb8;
	v63 =	vld [tilespmem:$0x0]  }
0x2f: {  	s9 =	simm.s32 $0x500;
	s7 =	simm.s32 $0x15800  }
0x30: {  	[tilespmem:s7], [sflag:$0x6] =	stream.indirect.gather [hbm4b:s2+s16], $0x80, s9, s16, $0xb8;
	v63 =	vld [tilespmem:$0x0]  }
0x31: {  	s11 =	simm.s32 $0x580;
	s9 =	simm.s32 $0x17400  }
0x32: {  	[tilespmem:s9], [sflag:$0x6] =	stream.indirect.gather [hbm4b:s2+s16], $0x80, s11, s16, $0xb8;
	v63 =	vld [tilespmem:$0x0]  }
0x33: {  	s14 =	simm.s32 $0x600;
	s11 =	simm.s32 $0x19000  }
0x34: {  	[tilespmem:s11], [sflag:$0x7] =	stream.indirect.gather [hbm4b:s2+s16], $0x80, s14, s16, $0xb8;
	v63 =	vld [tilespmem:$0x0]  }
0x35: {  	s19 =	simm.s32 $0x680;
	s14 =	simm.s32 $0x1AC00  }
0x36: {  	[tilespmem:s14], [sflag:$0x7] =	stream.indirect.gather [hbm4b:s2+s16], $0x80, s19, s16, $0xb8;
	v63 =	vld [tilespmem:$0x0]  }
0x37: {  	_ =	swait.ge [sflag:s1], $0x1900  }
0x38: {  	[sflag:s1] =	ssyncset.done $0x0  }
0x39: {  	[sflag:s1] =	ssyncadd.s32 $0xFFFFE700  }
0x3a: {  	_ =	swait.ge [sflag:s1], $0x1900  }
0x3b: {  	[sflag:s1] =	ssyncset.done $0x0  }
0x3c: {  	s23 =	rddreg [dreg:$0x5];
	[sflag:s1] =	ssyncadd.s32 $0xFFFFE700  }
0x3d: {  	[hbm4b:s23+s3] =	stream.linear.scatter [tilespmem:s18], [sflag:$0x9], $0x1900, $0x38;
	v63 =	vld [tilespmem:$0x0]  }
0x3e: {  	s25 =	sadd.s32 $0x380, s23  }
0x3f: {  	[hbm4b:s25+s3] =	stream.linear.scatter [tilespmem:s22], [sflag:$0x9], $0x1900, $0x38;
	v63 =	vld [tilespmem:$0x0]  }
0x40: {  	s19 =	simm.s32 $0x1C800;
	s25 =	simm.s32 $0x700  }
0x41: {  	[tilespmem:s19], [sflag:$0x8] =	stream.indirect.gather [hbm4b:s2+s16], $0x80, s25, s16, $0xb8;
	v63 =	vld [tilespmem:$0x0]  }
0x42: {  	s31 =	simm.s32 $0x780;
	s23 =	simm.s32 $0x1E400;
	s25 =	simm.s32 $0x9  }
0x43: {  	[tilespmem:s23], [sflag:$0x8] =	stream.indirect.gather [hbm4b:s2+s16], $0x80, s31, s16, $0xb8;
	v63 =	vld [tilespmem:$0x0]  }
0x44: {  	_ =	swait.ge [sflag:s25], $0x3200  }
0x45: {  	[sflag:s25] =	ssyncset.done $0x0  }
0x46: {  	s31 =	simm.s32 $0x800;
	[sflag:s25] =	ssyncadd.s32 $0xFFFFCE00  }
0x47: {  	[tilespmem:s18], [sflag:$0x1] =	stream.indirect.gather [hbm4b:s2+s16], $0x80, s31, s16, $0xb8;
	v63 =	vld [tilespmem:$0x0]  }
0x48: {  	s0 =	simm.s32 $0x880;
	s25 =	simm.s32 $0x2  }
0x49: {  	[tilespmem:s22], [sflag:$0x1] =	stream.indirect.gather [hbm4b:s2+s16], $0x80, s0, s16, $0xb8;
	v63 =	vld [tilespmem:$0x0]  }
0x4a: {  	_ =	swait.ge [sflag:s25], $0x1900  }
0x4b: {  	[sflag:s25] =	ssyncset.done $0x0  }
0x4c: {  	[sflag:s25] =	ssyncadd.s32 $0xFFFFE700  }
0x4d: {  	_ =	swait.ge [sflag:s25], $0x1900  }
0x4e: {  	[sflag:s25] =	ssyncset.done $0x0;
	s0 =	rddreg [dreg:$0xe]  }
0x4f: {  	[sflag:s25] =	ssyncadd.s32 $0xFFFFE700;
	s31 =	sadd.s32 $0xFFFFEB00, s0  }
0x50: {  	[hbm4b:s31+s3] =	stream.linear.scatter [tilespmem:s26], [sflag:$0xA], $0x1900, $0x38;
	v63 =	vld [tilespmem:$0x0]  }
0x51: {  	s22 =	sadd.s32 $0xFFFFEE80, s0;
	s31 =	simm.s32 $0xA  }
0x52: {  	[hbm4b:s22+s3] =	stream.linear.scatter [tilespmem:s28], [sflag:$0xA], $0x1900, $0x38;
	v63 =	vld [tilespmem:$0x0]  }
0x53: {  	_ =	swait.ge [sflag:s31], $0x3200  }
0x54: {  	[sflag:s31] =	ssyncset.done $0x0  }
0x55: {  	s22 =	simm.s32 $0x900;
	[sflag:s31] =	ssyncadd.s32 $0xFFFFCE00  }
0x56: {  	[tilespmem:s26], [sflag:$0x2] =	stream.indirect.gather [hbm4b:s2+s16], $0x80, s22, s16, $0xb8;
	v63 =	vld [tilespmem:$0x0]  }
0x57: {  	s26 =	simm.s32 $0x980  }
0x58: {  	[tilespmem:s28], [sflag:$0x2] =	stream.indirect.gather [hbm4b:s2+s16], $0x80, s26, s16, $0xb8;
	v63 =	vld [tilespmem:$0x0]  }
0x59: {  	_ =	swait.ge [sflag:s6], $0x1900  }
0x5a: {  	[sflag:s6] =	ssyncset.done $0x0  }
0x5b: {  	[sflag:s6] =	ssyncadd.s32 $0xFFFFE700  }
0x5c: {  	_ =	swait.ge [sflag:s6], $0x1900  }
0x5d: {  	[sflag:s6] =	ssyncset.done $0x0  }
0x5e: {  	s31 =	sadd.s32 $0xFFFFF200, s0;
	[sflag:s6] =	ssyncadd.s32 $0xFFFFE700  }
0x5f: {  	[hbm4b:s31+s3] =	stream.linear.scatter [tilespmem:s20], [sflag:$0xB], $0x1900, $0x38;
	v63 =	vld [tilespmem:$0x0]  }
0x60: {  	s22 =	sadd.s32 $0xFFFFF580, s0;
	s26 =	simm.s32 $0xB  }
0x61: {  	[hbm4b:s22+s3] =	stream.linear.scatter [tilespmem:s29], [sflag:$0xB], $0x1900, $0x38;
	v63 =	vld [tilespmem:$0x0]  }
0x62: {  	_ =	swait.ge [sflag:s26], $0x3200  }
0x63: {  	[sflag:s26] =	ssyncset.done $0x0  }
0x64: {  	s31 =	simm.s32 $0xA00;
	[sflag:s26] =	ssyncadd.s32 $0xFFFFCE00  }
0x65: {  	[tilespmem:s20], [sflag:$0x3] =	stream.indirect.gather [hbm4b:s2+s16], $0x80, s31, s16, $0xb8;
	v63 =	vld [tilespmem:$0x0]  }
0x66: {  	s22 =	simm.s32 $0xA80  }
0x67: {  	[tilespmem:s29], [sflag:$0x3] =	stream.indirect.gather [hbm4b:s2+s16], $0x80, s22, s16, $0xb8;
	v63 =	vld [tilespmem:$0x0]  }
0x68: {  	_ =	swait.ge [sflag:s8], $0x1900  }
0x69: {  	[sflag:s8] =	ssyncset.done $0x0  }
0x6a: {  	[sflag:s8] =	ssyncadd.s32 $0xFFFFE700  }
0x6b: {  	_ =	swait.ge [sflag:s8], $0x1900  }
0x6c: {  	[sflag:s8] =	ssyncset.done $0x0  }
0x6d: {  	s26 =	sadd.s32 $0xFFFFF900, s0;
	[sflag:s8] =	ssyncadd.s32 $0xFFFFE700  }
0x6e: {  	[hbm4b:s26+s3] =	stream.linear.scatter [tilespmem:s24], [sflag:$0xC], $0x1900, $0x38;
	v63 =	vld [tilespmem:$0x0]  }
0x6f: {  	s31 =	simm.s32 $0xC;
	s29 =	sadd.s32 $0xFFFFFC80, s0  }
0x70: {  	[hbm4b:s29+s3] =	stream.linear.scatter [tilespmem:s4], [sflag:$0xC], $0x1900, $0x38;
	v63 =	vld [tilespmem:$0x0]  }
0x71: {  	_ =	swait.ge [sflag:s31], $0x3200  }
0x72: {  	[sflag:s31] =	ssyncset.done $0x0  }
0x73: {  	s22 =	simm.s32 $0xB00;
	[sflag:s31] =	ssyncadd.s32 $0xFFFFCE00  }
0x74: {  	[tilespmem:s24], [sflag:$0x4] =	stream.indirect.gather [hbm4b:s2+s16], $0x80, s22, s16, $0xb8;
	v63 =	vld [tilespmem:$0x0]  }
0x75: {  	s26 =	simm.s32 $0xB80  }
0x76: {  	[tilespmem:s4], [sflag:$0x4] =	stream.indirect.gather [hbm4b:s2+s16], $0x80, s26, s16, $0xb8;
	v63 =	vld [tilespmem:$0x0]  }
0x77: {  	_ =	swait.ge [sflag:s10], $0x1900  }
0x78: {  	[sflag:s10] =	ssyncset.done $0x0  }
0x79: {  	[sflag:s10] =	ssyncadd.s32 $0xFFFFE700  }
0x7a: {  	_ =	swait.ge [sflag:s10], $0x1900  }
0x7b: {  	[sflag:s10] =	ssyncset.done $0x0  }
0x7c: {  	[sflag:s10] =	ssyncadd.s32 $0xFFFFE700  }
0x7d: {  	[hbm4b:s0+s3] =	stream.linear.scatter [tilespmem:s13], [sflag:$0xD], $0x1900, $0x38;
	v63 =	vld [tilespmem:$0x0]  }
0x7e: {  	s29 =	sadd.s32 $0x380, s0;
	s31 =	simm.s32 $0xD  }
0x7f: {  	[hbm4b:s29+s3] =	stream.linear.scatter [tilespmem:s5], [sflag:$0xD], $0x1900, $0x38;
	v63 =	vld [tilespmem:$0x0]  }
0x80: {  	_ =	swait.ge [sflag:s31], $0x3200  }
0x81: {  	[sflag:s31] =	ssyncset.done $0x0  }
0x82: {  	s20 =	simm.s32 $0xC00;
	[sflag:s31] =	ssyncadd.s32 $0xFFFFCE00  }
0x83: {  	[tilespmem:s13], [sflag:$0x5] =	stream.indirect.gather [hbm4b:s2+s16], $0x80, s20, s16, $0xb8;
	v63 =	vld [tilespmem:$0x0]  }
0x84: {  	s22 =	simm.s32 $0xC80  }
0x85: {  	[tilespmem:s5], [sflag:$0x5] =	stream.indirect.gather [hbm4b:s2+s16], $0x80, s22, s16, $0xb8;
	v63 =	vld [tilespmem:$0x0]  }
0x86: {  	_ =	swait.ge [sflag:s12], $0x1900  }
0x87: {  	[sflag:s12] =	ssyncset.done $0x0  }
0x88: {  	[sflag:s12] =	ssyncadd.s32 $0xFFFFE700  }
0x89: {  	_ =	swait.ge [sflag:s12], $0x1900  }
0x8a: {  	[sflag:s12] =	ssyncset.done $0x0  }
0x8b: {  	s24 =	sadd.s32 $0x700, s0;
	[sflag:s12] =	ssyncadd.s32 $0xFFFFE700  }
0x8c: {  	[hbm4b:s24+s3] =	stream.linear.scatter [tilespmem:s7], [sflag:$0xE], $0x1900, $0x38;
	v63 =	vld [tilespmem:$0x0]  }
0x8d: {  	s26 =	sadd.s32 $0xA80, s0;
	s29 =	simm.s32 $0xE  }
0x8e: {  	[hbm4b:s26+s3] =	stream.linear.scatter [tilespmem:s9], [sflag:$0xE], $0x1900, $0x38;
	v63 =	vld [tilespmem:$0x0]  }
0x8f: {  	_ =	swait.ge [sflag:s29], $0x3200  }
0x90: {  	[sflag:s29] =	ssyncset.done $0x0  }
0x91: {  	s31 =	simm.s32 $0xD00;
	[sflag:s29] =	ssyncadd.s32 $0xFFFFCE00  }
0x92: {  	[tilespmem:s7], [sflag:$0x6] =	stream.indirect.gather [hbm4b:s2+s16], $0x80, s31, s16, $0xb8;
	v63 =	vld [tilespmem:$0x0]  }
0x93: {  	s4 =	simm.s32 $0xD80  }
0x94: {  	[tilespmem:s9], [sflag:$0x6] =	stream.indirect.gather [hbm4b:s2+s16], $0x80, s4, s16, $0xb8;
	v63 =	vld [tilespmem:$0x0]  }
0x95: {  	_ =	swait.ge [sflag:s17], $0x1900  }
0x96: {  	[sflag:s17] =	ssyncset.done $0x0  }
0x97: {  	[sflag:s17] =	ssyncadd.s32 $0xFFFFE700  }
0x98: {  	_ =	swait.ge [sflag:s17], $0x1900  }
0x99: {  	[sflag:s17] =	ssyncset.done $0x0  }
0x9a: {  	s5 =	sadd.s32 $0xE00, s0;
	[sflag:s17] =	ssyncadd.s32 $0xFFFFE700  }
0x9b: {  	[hbm4b:s5+s3] =	stream.linear.scatter [tilespmem:s11], [sflag:$0xF], $0x1900, $0x38;
	v63 =	vld [tilespmem:$0x0]  }
0x9c: {  	s7 =	sadd.s32 $0x1180, s0;
	s9 =	simm.s32 $0xF  }
0x9d: {  	[hbm4b:s7+s3] =	stream.linear.scatter [tilespmem:s14], [sflag:$0xF], $0x1900, $0x38;
	v63 =	vld [tilespmem:$0x0]  }
0x9e: {  	_ =	swait.ge [sflag:s9], $0x3200  }
0x9f: {  	[sflag:s9] =	ssyncset.done $0x0  }
0xa0: {  	s13 =	simm.s32 $0xE00;
	[sflag:s9] =	ssyncadd.s32 $0xFFFFCE00  }
0xa1: {  	[tilespmem:s11], [sflag:$0x7] =	stream.indirect.gather [hbm4b:s2+s16], $0x80, s13, s16, $0xb8;
	v63 =	vld [tilespmem:$0x0]  }
0xa2: {  	s20 =	simm.s32 $0xE80  }
0xa3: {  	[tilespmem:s14], [sflag:$0x7] =	stream.indirect.gather [hbm4b:s2+s16], $0x80, s20, s16, $0xb8;
	v63 =	vld [tilespmem:$0x0]  }
0xa4: {  	_ =	swait.ge [sflag:s21], $0x1900  }
0xa5: {  	[sflag:s21] =	ssyncset.done $0x0  }
0xa6: {  	[sflag:s21] =	ssyncadd.s32 $0xFFFFE700  }
0xa7: {  	_ =	swait.ge [sflag:s21], $0x1900  }
0xa8: {  	[sflag:s21] =	ssyncset.done $0x0  }
0xa9: {  	s22 =	sadd.s32 $0x1500, s0;
	[sflag:s21] =	ssyncadd.s32 $0xFFFFE700  }
0xaa: {  	[hbm4b:s22+s3] =	stream.linear.scatter [tilespmem:s19], [sflag:$0x10], $0x1900, $0x38;
	v63 =	vld [tilespmem:$0x0]  }
0xab: {  	s25 =	simm.s32 $0x10;
	s24 =	sadd.s32 $0x1880, s0  }
0xac: {  	[hbm4b:s24+s3] =	stream.linear.scatter [tilespmem:s23], [sflag:$0x10], $0x1900, $0x38;
	v63 =	vld [tilespmem:$0x0]  }
0xad: {  	_ =	swait.ge [sflag:s25], $0x3200  }
0xae: {  	[sflag:s25] =	ssyncset.done $0x0  }
0xaf: {  	s26 =	simm.s32 $0xF00;
	[sflag:s25] =	ssyncadd.s32 $0xFFFFCE00  }
0xb0: {  	[tilespmem:s19], [sflag:$0x8] =	stream.indirect.gather [hbm4b:s2+s16], $0x80, s26, s16, $0xb8;
	v63 =	vld [tilespmem:$0x0]  }
0xb1: {  	s29 =	simm.s32 $0xF80  }
0xb2: {  	[tilespmem:s23], [sflag:$0x8] =	stream.indirect.gather [hbm4b:s2+s16], $0x80, s29, s16, $0xb8;
	v63 =	vld [tilespmem:$0x0]  }
0xb3: {  	_ =	swait.ge [sflag:s1], $0x1900  }
0xb4: {  	[sflag:s1] =	ssyncset.done $0x0  }
0xb5: {  	[sflag:s1] =	ssyncadd.s32 $0xFFFFE700  }
0xb6: {  	_ =	swait.ge [sflag:s1], $0x1900  }
0xb7: {  	s30 =	sadd.s32 $0x1F80, s0;
	s28 =	sadd.s32 $0x3800, s0;
	[sflag:s1] =	ssyncset.done $0x0  }
0xb8: {  	s31 =	sadd.s32 $0x1C00, s0;
	s25 =	simm.s32 $0x2000;
	[sflag:s1] =	ssyncadd.s32 $0xFFFFE700  }
0xb9: {  	[hbm4b:s31+s3] =	stream.linear.scatter [tilespmem:s18], [sflag:$0x9], $0x1900, $0x38;
	v63 =	vld [tilespmem:$0x0]  }
.LBB2_2:
0xba: {  	s26 =	simm.s32 $0x5C00  }
0xbb: {  	[hbm4b:s30+s3] =	stream.linear.scatter [tilespmem:s26], [sflag:$0x9], $0x1900, $0x38;
	v63 =	vld [tilespmem:$0x0]  }
0xbc: {  	s0 =	simm.s32 $0x9;
	s30 =	smov.u32 s25  }
0xbd: {  	p0 =	sne.s32 s25, $0xC000;
	s25 =	sadd.s32 $0x2000, s25;
	_ =	swait.ge [sflag:s0], $0x3200  }
0xbe: {  	s30 =	sshra.s32 s30, $0x2;
	[sflag:s0] =	ssyncset.done $0x0  }
0xbf: {  	s1 =	simm.s32 $0x4000;
	[sflag:s0] =	ssyncadd.s32 $0xFFFFCE00;
	s0 =	sadd.s32 $0x800, s30  }
0xc0: {  	[tilespmem:s1], [sflag:$0x1] =	stream.indirect.gather [hbm4b:s2+s16], $0x80, s0, s16, $0xb8;
	v63 =	vld [tilespmem:$0x0]  }
0xc1: {  	s0 =	sadd.s32 $0x880, s30  }
0xc2: {  	[tilespmem:s26], [sflag:$0x1] =	stream.indirect.gather [hbm4b:s2+s16], $0x80, s0, s16, $0xb8;
	v63 =	vld [tilespmem:$0x0]  }
0xc3: {  	s22 =	simm.s32 $0x5C00;
	s0 =	simm.s32 $0x2  }
0xc4: {  	_ =	swait.ge [sflag:s0], $0x1900  }
0xc5: {  	[sflag:s0] =	ssyncset.done $0x0  }
0xc6: {  	[sflag:s0] =	ssyncadd.s32 $0xFFFFE700  }
0xc7: {  	_ =	swait.ge [sflag:s0], $0x1900  }
0xc8: {  	[sflag:s0] =	ssyncset.done $0x0  }
0xc9: {  	s31 =	simm.s32 $0x7800;
	[sflag:s0] =	ssyncadd.s32 $0xFFFFE700;
	s0 =	sadd.s32 $0xFFFFEB00, s28  }
0xca: {  	[hbm4b:s0+s3] =	stream.linear.scatter [tilespmem:s31], [sflag:$0xA], $0x1900, $0x38;
	v63 =	vld [tilespmem:$0x0]  }
0xcb: {  	s20 =	simm.s32 $0x9400;
	s0 =	sadd.s32 $0xFFFFEE80, s28  }
0xcc: {  	[hbm4b:s0+s3] =	stream.linear.scatter [tilespmem:s20], [sflag:$0xA], $0x1900, $0x38;
	v63 =	vld [tilespmem:$0x0]  }
0xcd: {  	s0 =	simm.s32 $0xA  }
0xce: {  	_ =	swait.ge [sflag:s0], $0x3200  }
0xcf: {  	[sflag:s0] =	ssyncset.done $0x0  }
0xd0: {  	s26 =	simm.s32 $0x7800;
	[sflag:s0] =	ssyncadd.s32 $0xFFFFCE00;
	s0 =	sadd.s32 $0x900, s30  }
0xd1: {  	[tilespmem:s31], [sflag:$0x2] =	stream.indirect.gather [hbm4b:s2+s16], $0x80, s0, s16, $0xb8;
	v63 =	vld [tilespmem:$0x0]  }
0xd2: {  	s0 =	sadd.s32 $0x980, s30;
	s31 =	simm.s32 $0x9400  }
0xd3: {  	[tilespmem:s20], [sflag:$0x2] =	stream.indirect.gather [hbm4b:s2+s16], $0x80, s0, s16, $0xb8;
	v63 =	vld [tilespmem:$0x0]  }
0xd4: {  	_ =	swait.ge [sflag:s6], $0x1900  }
0xd5: {  	[sflag:s6] =	ssyncset.done $0x0  }
0xd6: {  	[sflag:s6] =	ssyncadd.s32 $0xFFFFE700  }
0xd7: {  	_ =	swait.ge [sflag:s6], $0x1900  }
0xd8: {  	[sflag:s6] =	ssyncset.done $0x0  }
0xd9: {  	s29 =	simm.s32 $0xB000;
	s0 =	sadd.s32 $0xFFFFF200, s28;
	[sflag:s6] =	ssyncadd.s32 $0xFFFFE700  }
0xda: {  	[hbm4b:s0+s3] =	stream.linear.scatter [tilespmem:s29], [sflag:$0xB], $0x1900, $0x38;
	v63 =	vld [tilespmem:$0x0]  }
0xdb: {  	s24 =	simm.s32 $0xCC00;
	s0 =	sadd.s32 $0xFFFFF580, s28  }
0xdc: {  	[hbm4b:s0+s3] =	stream.linear.scatter [tilespmem:s24], [sflag:$0xB], $0x1900, $0x38;
	v63 =	vld [tilespmem:$0x0]  }
0xdd: {  	s0 =	simm.s32 $0xB  }
0xde: {  	_ =	swait.ge [sflag:s0], $0x3200  }
0xdf: {  	[sflag:s0] =	ssyncset.done $0x0  }
0xe0: {  	s20 =	simm.s32 $0xB000;
	[sflag:s0] =	ssyncadd.s32 $0xFFFFCE00;
	s0 =	sadd.s32 $0xA00, s30  }
0xe1: {  	[tilespmem:s29], [sflag:$0x3] =	stream.indirect.gather [hbm4b:s2+s16], $0x80, s0, s16, $0xb8;
	v63 =	vld [tilespmem:$0x0]  }
0xe2: {  	s0 =	sadd.s32 $0xA80, s30;
	s29 =	simm.s32 $0xCC00  }
0xe3: {  	[tilespmem:s24], [sflag:$0x3] =	stream.indirect.gather [hbm4b:s2+s16], $0x80, s0, s16, $0xb8;
	v63 =	vld [tilespmem:$0x0]  }
0xe4: {  	_ =	swait.ge [sflag:s8], $0x1900  }
0xe5: {  	[sflag:s8] =	ssyncset.done $0x0  }
0xe6: {  	[sflag:s8] =	ssyncadd.s32 $0xFFFFE700  }
0xe7: {  	_ =	swait.ge [sflag:s8], $0x1900  }
0xe8: {  	[sflag:s8] =	ssyncset.done $0x0  }
0xe9: {  	s4 =	simm.s32 $0xE800;
	s0 =	sadd.s32 $0xFFFFF900, s28;
	[sflag:s8] =	ssyncadd.s32 $0xFFFFE700  }
0xea: {  	[hbm4b:s0+s3] =	stream.linear.scatter [tilespmem:s4], [sflag:$0xC], $0x1900, $0x38;
	v63 =	vld [tilespmem:$0x0]  }
0xeb: {  	s13 =	simm.s32 $0x10400;
	s0 =	sadd.s32 $0xFFFFFC80, s28  }
0xec: {  	[hbm4b:s0+s3] =	stream.linear.scatter [tilespmem:s13], [sflag:$0xC], $0x1900, $0x38;
	v63 =	vld [tilespmem:$0x0]  }
0xed: {  	s0 =	simm.s32 $0xC  }
0xee: {  	_ =	swait.ge [sflag:s0], $0x3200  }
0xef: {  	[sflag:s0] =	ssyncset.done $0x0  }
0xf0: {  	s24 =	simm.s32 $0xE800;
	[sflag:s0] =	ssyncadd.s32 $0xFFFFCE00;
	s0 =	sadd.s32 $0xB00, s30  }
0xf1: {  	[tilespmem:s4], [sflag:$0x4] =	stream.indirect.gather [hbm4b:s2+s16], $0x80, s0, s16, $0xb8;
	v63 =	vld [tilespmem:$0x0]  }
0xf2: {  	s0 =	sadd.s32 $0xB80, s30;
	s4 =	simm.s32 $0x10400  }
0xf3: {  	[tilespmem:s13], [sflag:$0x4] =	stream.indirect.gather [hbm4b:s2+s16], $0x80, s0, s16, $0xb8;
	v63 =	vld [tilespmem:$0x0]  }
0xf4: {  	_ =	swait.ge [sflag:s10], $0x1900  }
0xf5: {  	[sflag:s10] =	ssyncset.done $0x0  }
0xf6: {  	[sflag:s10] =	ssyncadd.s32 $0xFFFFE700  }
0xf7: {  	_ =	swait.ge [sflag:s10], $0x1900  }
0xf8: {  	[sflag:s10] =	ssyncset.done $0x0  }
0xf9: {  	s5 =	simm.s32 $0x12000;
	[sflag:s10] =	ssyncadd.s32 $0xFFFFE700  }
0xfa: {  	[hbm4b:s28+s3] =	stream.linear.scatter [tilespmem:s5], [sflag:$0xD], $0x1900, $0x38;
	v63 =	vld [tilespmem:$0x0]  }
0xfb: {  	s7 =	simm.s32 $0x13C00;
	s0 =	sadd.s32 $0x380, s28  }
0xfc: {  	[hbm4b:s0+s3] =	stream.linear.scatter [tilespmem:s7], [sflag:$0xD], $0x1900, $0x38;
	v63 =	vld [tilespmem:$0x0]  }
0xfd: {  	s0 =	simm.s32 $0xD  }
0xfe: {  	_ =	swait.ge [sflag:s0], $0x3200  }
0xff: {  	[sflag:s0] =	ssyncset.done $0x0  }
0x100: {  	s13 =	simm.s32 $0x12000;
	[sflag:s0] =	ssyncadd.s32 $0xFFFFCE00;
	s0 =	sadd.s32 $0xC00, s30  }
0x101: {  	[tilespmem:s5], [sflag:$0x5] =	stream.indirect.gather [hbm4b:s2+s16], $0x80, s0, s16, $0xb8;
	v63 =	vld [tilespmem:$0x0]  }
0x102: {  	s0 =	sadd.s32 $0xC80, s30;
	s5 =	simm.s32 $0x13C00  }
0x103: {  	[tilespmem:s7], [sflag:$0x5] =	stream.indirect.gather [hbm4b:s2+s16], $0x80, s0, s16, $0xb8;
	v63 =	vld [tilespmem:$0x0]  }
0x104: {  	_ =	swait.ge [sflag:s12], $0x1900  }
0x105: {  	[sflag:s12] =	ssyncset.done $0x0  }
0x106: {  	[sflag:s12] =	ssyncadd.s32 $0xFFFFE700  }
0x107: {  	_ =	swait.ge [sflag:s12], $0x1900  }
0x108: {  	[sflag:s12] =	ssyncset.done $0x0  }
0x109: {  	s9 =	simm.s32 $0x15800;
	s0 =	sadd.s32 $0x700, s28;
	[sflag:s12] =	ssyncadd.s32 $0xFFFFE700  }
0x10a: {  	[hbm4b:s0+s3] =	stream.linear.scatter [tilespmem:s9], [sflag:$0xE], $0x1900, $0x38;
	v63 =	vld [tilespmem:$0x0]  }
0x10b: {  	s11 =	simm.s32 $0x17400;
	s0 =	sadd.s32 $0xA80, s28  }
0x10c: {  	[hbm4b:s0+s3] =	stream.linear.scatter [tilespmem:s11], [sflag:$0xE], $0x1900, $0x38;
	v63 =	vld [tilespmem:$0x0]  }
0x10d: {  	s0 =	simm.s32 $0xE  }
0x10e: {  	_ =	swait.ge [sflag:s0], $0x3200  }
0x10f: {  	[sflag:s0] =	ssyncset.done $0x0  }
0x110: {  	s7 =	simm.s32 $0x15800;
	[sflag:s0] =	ssyncadd.s32 $0xFFFFCE00;
	s0 =	sadd.s32 $0xD00, s30  }
0x111: {  	[tilespmem:s9], [sflag:$0x6] =	stream.indirect.gather [hbm4b:s2+s16], $0x80, s0, s16, $0xb8;
	v63 =	vld [tilespmem:$0x0]  }
0x112: {  	s0 =	sadd.s32 $0xD80, s30;
	s9 =	simm.s32 $0x17400  }
0x113: {  	[tilespmem:s11], [sflag:$0x6] =	stream.indirect.gather [hbm4b:s2+s16], $0x80, s0, s16, $0xb8;
	v63 =	vld [tilespmem:$0x0]  }
0x114: {  	_ =	swait.ge [sflag:s17], $0x1900  }
0x115: {  	[sflag:s17] =	ssyncset.done $0x0  }
0x116: {  	[sflag:s17] =	ssyncadd.s32 $0xFFFFE700  }
0x117: {  	_ =	swait.ge [sflag:s17], $0x1900  }
0x118: {  	[sflag:s17] =	ssyncset.done $0x0  }
0x119: {  	s14 =	simm.s32 $0x19000;
	s0 =	sadd.s32 $0xE00, s28;
	[sflag:s17] =	ssyncadd.s32 $0xFFFFE700  }
0x11a: {  	[hbm4b:s0+s3] =	stream.linear.scatter [tilespmem:s14], [sflag:$0xF], $0x1900, $0x38;
	v63 =	vld [tilespmem:$0x0]  }
0x11b: {  	s19 =	simm.s32 $0x1AC00;
	s0 =	sadd.s32 $0x1180, s28  }
0x11c: {  	[hbm4b:s0+s3] =	stream.linear.scatter [tilespmem:s19], [sflag:$0xF], $0x1900, $0x38;
	v63 =	vld [tilespmem:$0x0]  }
0x11d: {  	s0 =	simm.s32 $0xF  }
0x11e: {  	_ =	swait.ge [sflag:s0], $0x3200  }
0x11f: {  	[sflag:s0] =	ssyncset.done $0x0  }
0x120: {  	s11 =	simm.s32 $0x19000;
	[sflag:s0] =	ssyncadd.s32 $0xFFFFCE00;
	s0 =	sadd.s32 $0xE00, s30  }
0x121: {  	[tilespmem:s14], [sflag:$0x7] =	stream.indirect.gather [hbm4b:s2+s16], $0x80, s0, s16, $0xb8;
	v63 =	vld [tilespmem:$0x0]  }
0x122: {  	s0 =	sadd.s32 $0xE80, s30;
	s14 =	simm.s32 $0x1AC00  }
0x123: {  	[tilespmem:s19], [sflag:$0x7] =	stream.indirect.gather [hbm4b:s2+s16], $0x80, s0, s16, $0xb8;
	v63 =	vld [tilespmem:$0x0]  }
0x124: {  	_ =	swait.ge [sflag:s21], $0x1900  }
0x125: {  	[sflag:s21] =	ssyncset.done $0x0  }
0x126: {  	[sflag:s21] =	ssyncadd.s32 $0xFFFFE700  }
0x127: {  	_ =	swait.ge [sflag:s21], $0x1900  }
0x128: {  	[sflag:s21] =	ssyncset.done $0x0  }
0x129: {  	s23 =	simm.s32 $0x1C800;
	s0 =	sadd.s32 $0x1500, s28;
	[sflag:s21] =	ssyncadd.s32 $0xFFFFE700  }
0x12a: {  	[hbm4b:s0+s3] =	stream.linear.scatter [tilespmem:s23], [sflag:$0x10], $0x1900, $0x38;
	v63 =	vld [tilespmem:$0x0]  }
0x12b: {  	s18 =	simm.s32 $0x1E400;
	s0 =	sadd.s32 $0x1880, s28  }
0x12c: {  	[hbm4b:s0+s3] =	stream.linear.scatter [tilespmem:s18], [sflag:$0x10], $0x1900, $0x38;
	v63 =	vld [tilespmem:$0x0]  }
0x12d: {  	s0 =	simm.s32 $0x10  }
0x12e: {  	_ =	swait.ge [sflag:s0], $0x3200  }
0x12f: {  	[sflag:s0] =	ssyncset.done $0x0  }
0x130: {  	s19 =	simm.s32 $0x1C800;
	[sflag:s0] =	ssyncadd.s32 $0xFFFFCE00;
	s0 =	sadd.s32 $0xF00, s30  }
0x131: {  	[tilespmem:s23], [sflag:$0x8] =	stream.indirect.gather [hbm4b:s2+s16], $0x80, s0, s16, $0xb8;
	v63 =	vld [tilespmem:$0x0]  }
0x132: {  	s0 =	sadd.s32 $0xF80, s30;
	s23 =	simm.s32 $0x1E400  }
0x133: {  	[tilespmem:s18], [sflag:$0x8] =	stream.indirect.gather [hbm4b:s2+s16], $0x80, s0, s16, $0xb8;
	v63 =	vld [tilespmem:$0x0]  }
0x134: {  	_ =	swait.ge [sflag:s15], $0x1900  }
0x135: {  	[sflag:s15] =	ssyncset.done $0x0  }
0x136: {  	[sflag:s15] =	ssyncadd.s32 $0xFFFFE700  }
.Ltmp0:
0x137: {  	_ =	swait.ge [sflag:s15], $0x1900;
	(pc) =	sbr.rel @p0 .LBB2_2-.Ltmp0, $4  }
0x138: {  	[sflag:s15] =	ssyncset.done $0x0  }
0x139: {  	s0 =	sadd.s32 $0x1C00, s28;
	[sflag:s15] =	ssyncadd.s32 $0xFFFFE700  }
0x13a: {  	[hbm4b:s0+s3] =	stream.linear.scatter [tilespmem:s1], [sflag:$0x9], $0x1900, $0x38;
	v63 =	vld [tilespmem:$0x0]  }
0x13b: {  	s30 =	sadd.s32 $0x1F80, s28;
	s28 =	sadd.s32 $0x3800, s28  }
0x13c: {  	[hbm4b:s30+s3] =	stream.linear.scatter [tilespmem:s22], [sflag:$0x9], $0x1900, $0x38;
	v63 =	vld [tilespmem:$0x0]  }
0x13d: {  	s0 =	simm.s32 $0x2  }
0x13e: {  	_ =	swait.ge [sflag:s0], $0x1900  }
0x13f: {  	[sflag:s0] =	ssyncset.done $0x0  }
0x140: {  	[sflag:s0] =	ssyncadd.s32 $0xFFFFE700  }
0x141: {  	_ =	swait.ge [sflag:s0], $0x1900  }
0x142: {  	[sflag:s0] =	ssyncset.done $0x0  }
0x143: {  	s30 =	rddreg [dreg:$0x6];
	[sflag:s0] =	ssyncadd.s32 $0xFFFFE700  }
0x144: {  	[hbm4b:s30+s3] =	stream.linear.scatter [tilespmem:s26], [sflag:$0xA], $0x1900, $0x38;
	v63 =	vld [tilespmem:$0x0]  }
0x145: {  	s0 =	sadd.s32 $0x380, s30  }
0x146: {  	[hbm4b:s0+s3] =	stream.linear.scatter [tilespmem:s31], [sflag:$0xA], $0x1900, $0x38;
	v63 =	vld [tilespmem:$0x0]  }
0x147: {  	_ =	swait.ge [sflag:s6], $0x1900  }
0x148: {  	[sflag:s6] =	ssyncset.done $0x0  }
0x149: {  	[sflag:s6] =	ssyncadd.s32 $0xFFFFE700  }
0x14a: {  	_ =	swait.ge [sflag:s6], $0x1900  }
0x14b: {  	[sflag:s6] =	ssyncset.done $0x0  }
0x14c: {  	s31 =	rddreg [dreg:$0x7];
	[sflag:s6] =	ssyncadd.s32 $0xFFFFE700  }
0x14d: {  	[hbm4b:s31+s3] =	stream.linear.scatter [tilespmem:s20], [sflag:$0xB], $0x1900, $0x38;
	v63 =	vld [tilespmem:$0x0]  }
0x14e: {  	s0 =	sadd.s32 $0x380, s31  }
0x14f: {  	[hbm4b:s0+s3] =	stream.linear.scatter [tilespmem:s29], [sflag:$0xB], $0x1900, $0x38;
	v63 =	vld [tilespmem:$0x0]  }
0x150: {  	_ =	swait.ge [sflag:s8], $0x1900  }
0x151: {  	[sflag:s8] =	ssyncset.done $0x0  }
0x152: {  	[sflag:s8] =	ssyncadd.s32 $0xFFFFE700  }
0x153: {  	_ =	swait.ge [sflag:s8], $0x1900  }
0x154: {  	[sflag:s8] =	ssyncset.done $0x0  }
0x155: {  	s1 =	rddreg [dreg:$0x8];
	[sflag:s8] =	ssyncadd.s32 $0xFFFFE700  }
0x156: {  	[hbm4b:s1+s3] =	stream.linear.scatter [tilespmem:s24], [sflag:$0xC], $0x1900, $0x38;
	v63 =	vld [tilespmem:$0x0]  }
0x157: {  	s0 =	sadd.s32 $0x380, s1  }
0x158: {  	[hbm4b:s0+s3] =	stream.linear.scatter [tilespmem:s4], [sflag:$0xC], $0x1900, $0x38;
	v63 =	vld [tilespmem:$0x0]  }
0x159: {  	_ =	swait.ge [sflag:s10], $0x1900  }
0x15a: {  	[sflag:s10] =	ssyncset.done $0x0  }
0x15b: {  	[sflag:s10] =	ssyncadd.s32 $0xFFFFE700  }
0x15c: {  	_ =	swait.ge [sflag:s10], $0x1900  }
0x15d: {  	[sflag:s10] =	ssyncset.done $0x0  }
0x15e: {  	s4 =	rddreg [dreg:$0x9];
	[sflag:s10] =	ssyncadd.s32 $0xFFFFE700  }
0x15f: {  	[hbm4b:s4+s3] =	stream.linear.scatter [tilespmem:s13], [sflag:$0xD], $0x1900, $0x38;
	v63 =	vld [tilespmem:$0x0]  }
0x160: {  	s0 =	sadd.s32 $0x380, s4  }
0x161: {  	[hbm4b:s0+s3] =	stream.linear.scatter [tilespmem:s5], [sflag:$0xD], $0x1900, $0x38;
	v63 =	vld [tilespmem:$0x0]  }
0x162: {  	_ =	swait.ge [sflag:s12], $0x1900  }
0x163: {  	[sflag:s12] =	ssyncset.done $0x0  }
0x164: {  	[sflag:s12] =	ssyncadd.s32 $0xFFFFE700  }
0x165: {  	_ =	swait.ge [sflag:s12], $0x1900  }
0x166: {  	[sflag:s12] =	ssyncset.done $0x0  }
0x167: {  	s5 =	rddreg [dreg:$0xa];
	[sflag:s12] =	ssyncadd.s32 $0xFFFFE700  }
0x168: {  	[hbm4b:s5+s3] =	stream.linear.scatter [tilespmem:s7], [sflag:$0xE], $0x1900, $0x38;
	v63 =	vld [tilespmem:$0x0]  }
0x169: {  	s0 =	sadd.s32 $0x380, s5  }
0x16a: {  	[hbm4b:s0+s3] =	stream.linear.scatter [tilespmem:s9], [sflag:$0xE], $0x1900, $0x38;
	v63 =	vld [tilespmem:$0x0]  }
0x16b: {  	_ =	swait.ge [sflag:s17], $0x1900  }
0x16c: {  	[sflag:s17] =	ssyncset.done $0x0  }
0x16d: {  	[sflag:s17] =	ssyncadd.s32 $0xFFFFE700  }
0x16e: {  	_ =	swait.ge [sflag:s17], $0x1900  }
0x16f: {  	[sflag:s17] =	ssyncset.done $0x0  }
0x170: {  	s13 =	rddreg [dreg:$0xb];
	[sflag:s17] =	ssyncadd.s32 $0xFFFFE700  }
0x171: {  	[hbm4b:s13+s3] =	stream.linear.scatter [tilespmem:s11], [sflag:$0xF], $0x1900, $0x38;
	v63 =	vld [tilespmem:$0x0]  }
0x172: {  	s0 =	sadd.s32 $0x380, s13  }
0x173: {  	[hbm4b:s0+s3] =	stream.linear.scatter [tilespmem:s14], [sflag:$0xF], $0x1900, $0x38;
	v63 =	vld [tilespmem:$0x0]  }
0x174: {  	_ =	swait.ge [sflag:s21], $0x1900  }
0x175: {  	[sflag:s21] =	ssyncset.done $0x0  }
0x176: {  	[sflag:s21] =	ssyncadd.s32 $0xFFFFE700  }
0x177: {  	_ =	swait.ge [sflag:s21], $0x1900  }
0x178: {  	[sflag:s21] =	ssyncset.done $0x0  }
0x179: {  	s18 =	rddreg [dreg:$0xc];
	[sflag:s21] =	ssyncadd.s32 $0xFFFFE700  }
0x17a: {  	[hbm4b:s18+s3] =	stream.linear.scatter [tilespmem:s19], [sflag:$0x10], $0x1900, $0x38;
	v63 =	vld [tilespmem:$0x0]  }
0x17b: {  	s20 =	simm.s32 $0x9;
	s0 =	sadd.s32 $0x380, s18  }
0x17c: {  	[hbm4b:s0+s3] =	stream.linear.scatter [tilespmem:s23], [sflag:$0x10], $0x1900, $0x38;
	v63 =	vld [tilespmem:$0x0]  }
0x17d: {  	_ =	swait.ge [sflag:s20], $0x3200  }
0x17e: {  	[sflag:s20] =	ssyncset.done $0x0  }
0x17f: {  	s22 =	simm.s32 $0xA;
	[sflag:s20] =	ssyncadd.s32 $0xFFFFCE00  }
0x180: {  	_ =	swait.ge [sflag:s22], $0x3200  }
0x181: {  	[sflag:s22] =	ssyncset.done $0x0  }
0x182: {  	s23 =	simm.s32 $0xB;
	[sflag:s22] =	ssyncadd.s32 $0xFFFFCE00  }
0x183: {  	_ =	swait.ge [sflag:s23], $0x3200  }
0x184: {  	[sflag:s23] =	ssyncset.done $0x0  }
0x185: {  	s24 =	simm.s32 $0xC;
	[sflag:s23] =	ssyncadd.s32 $0xFFFFCE00  }
0x186: {  	_ =	swait.ge [sflag:s24], $0x3200  }
0x187: {  	[sflag:s24] =	ssyncset.done $0x0  }
0x188: {  	s25 =	simm.s32 $0xD;
	[sflag:s24] =	ssyncadd.s32 $0xFFFFCE00  }
0x189: {  	_ =	swait.ge [sflag:s25], $0x3200  }
0x18a: {  	[sflag:s25] =	ssyncset.done $0x0  }
0x18b: {  	s26 =	simm.s32 $0xE;
	[sflag:s25] =	ssyncadd.s32 $0xFFFFCE00  }
0x18c: {  	_ =	swait.ge [sflag:s26], $0x3200  }
0x18d: {  	[sflag:s26] =	ssyncset.done $0x0  }
0x18e: {  	s28 =	simm.s32 $0xF;
	[sflag:s26] =	ssyncadd.s32 $0xFFFFCE00  }
0x18f: {  	_ =	swait.ge [sflag:s28], $0x3200  }
0x190: {  	[sflag:s28] =	ssyncset.done $0x0  }
0x191: {  	s29 =	simm.s32 $0x10;
	[sflag:s28] =	ssyncadd.s32 $0xFFFFCE00  }
0x192: {  	_ =	swait.ge [sflag:s29], $0x3200  }
0x193: {  	s30 =	rddreg [dreg:$0xf]  }
0x194: {  	s31 =	rddreg [dreg:$0xd];
	s5 =	sadd.s32 $0x1, s30  }
0x195: {  	p0 =	sne.s32 s5, s31  }
.Ltmp1:
0x196: {  	_ = 	snop;
	(pc) =	sbr.rel @p0 .LBB2_1-.Ltmp1, $3  }
0x197: {  	_ =	sdelay $0x1  }
0x198: {  	[sflag:s29] =	ssyncset.done $0x0  }
0x199: {  	s1 =	simm.s32 $0x1;
	s18 =	simm.s32 $0x4000;
	[sflag:s29] =	ssyncadd.s32 $0xFFFFCE00  }
0x19a: {  	_ =	sfence.sel $0x180000  }
0x19b: {  	[bflag:$0x0] =	sbarrier.arrive $0xFFFF  }
0x19c: {  	_ =	strace $0x90000047  }
0x19d: {  	s0 =	stileid.u32;
	[bflag:$0x2] =	sbarrier.arrive $0xFFFF  }
0x19e: {  	p0 =	sne.s32 s0, $0x0;
	s0 =	rddreg [dreg:$0x3]  }
0x19f: {  	s0 =	sadd.s32 @!p0 $0x100000, s0  }
0x1a0: {  	[sflag:s0] =	ssyncadd.tile.s32 @!p0 $0x1;
	_ =	shalt  }
.Lfunc_end2:
_tile_overlayer_lowered:
.L_overlay_start_2:
0x1a1: {  	(tag) =	ssettag $0x2  }
0x1a2: {  	s0 =	rddreg [dreg:$0x0];
	s2 =	stileid.u32  }
0x1a3: {  	s1 =	rddreg [dreg:$0x1];
	p0 =	sne.s32 s2, $0x0  }
0x1a4: {  	s3 =	rddreg [dreg:$0x2];
	[bflag:$0x3] =	sbarrier.arrive $0xFFFF;
	s2 =	simm.s32 @!p0 $0x1C11  }
0x1a5: {  	[timem:s3], [sflag:s2] =	dma.local @!p0 [hbm:s0], s1  }
0x1a6: {  	s0 =	simm.s32 @!p0 $0x11  }
0x1a7: {  	_ =	swait.ge @!p0 [sflag:s0], s1  }
0x1a8: {  	s1 =	ssub.s32 @!p0 $0x0, s1;
	[sflag:s0] =	ssyncset.done @!p0 $0x0  }
0x1a9: {  	[sflag:s0] =	ssyncadd.s32 @!p0 s1  }
0x1aa: {  	[bflag:$0x3] =	sbarrier.arrive $0xFFFF  }
0x1ab: {  	_ =	shalt  }

</sc_bundles>
